<compile_context>
chip_gen: v7x
topology: tpu7x:2x2x1
jax: 0.10.2.dev20260603
libtpu: 0.0.44.dev20260713+nightly
codegen_flags: <defaults>
</compile_context>

<pallas_src>
import jax
import jax.numpy as jnp
from jax.experimental import pallas as pl
from jax.experimental.pallas import tpu as pltpu

_REINIT_P = 0.05
_N, _H, _W = 10000, 250, 100
_B = 128
_S, _L = 8, 3125
_NCHUNK = 16


def _copy_body(buf_hbm, ns_hbm, newbuf_hbm, newns_hbm, sems):
    rows = _N // _NCHUNK
    copies = []
    for c in range(_NCHUNK):
        sl = pl.ds(c * rows, rows)
        copies.append(
            pltpu.make_async_copy(buf_hbm.at[sl], newbuf_hbm.at[sl], sems.at[c])
        )
    copies.append(pltpu.make_async_copy(ns_hbm, newns_hbm, sems.at[_NCHUNK]))
    for cp in copies:
        cp.start()
    for cp in copies:
        cp.wait()


def _gs_body(idx_ref, u_ref, buf_row, noise_row, ns_cell, newbuf_hbm, newns_hbm,
             out_row, newbuf_row, outns_cell, newns_cell):
    del newbuf_hbm, newns_hbm
    b = pl.program_id(0)
    reinit = u_ref[b] < _REINIT_P

    @pl.when(reinit)
    def _():
        out_row[...] = noise_row[...]
        newbuf_row[...] = noise_row[...]
        zero = jnp.zeros((1, 1, 1), jnp.float32)
        outns_cell[...] = zero
        newns_cell[...] = zero

    @pl.when(jnp.logical_not(reinit))
    def _():
        out_row[...] = buf_row[...]
        newbuf_row[...] = buf_row[...]
        outns_cell[...] = ns_cell[...]
        newns_cell[...] = ns_cell[...]


def kernel(buffer, buffer_numsteps, noise, u, idx):
    idx = idx.astype(jnp.int32)
    bufr = buffer.reshape(_N, _S, _L)
    noiser = noise.reshape(_B, _S, _L)
    ns3 = buffer_numsteps.reshape(_N, 1, 1)

    newbuf0, newns0 = pl.pallas_call(
        _copy_body,
        out_shape=[
            jax.ShapeDtypeStruct((_N, _S, _L), jnp.float32),
            jax.ShapeDtypeStruct((_N, 1, 1), jnp.float32),
        ],
        in_specs=[
            pl.BlockSpec(memory_space=pl.ANY),
            pl.BlockSpec(memory_space=pl.ANY),
        ],
        out_specs=[
            pl.BlockSpec(memory_space=pl.ANY),
            pl.BlockSpec(memory_space=pl.ANY),
        ],
        scratch_shapes=[pltpu.SemaphoreType.DMA((_NCHUNK + 1,))],
    )(bufr, ns3)

    grid_spec = pltpu.PrefetchScalarGridSpec(
        num_scalar_prefetch=2,
        grid=(_B,),
        in_specs=[
            pl.BlockSpec((1, _S, _L), lambda b, idx_r, u_r: (idx_r[b], 0, 0)),
            pl.BlockSpec((1, _S, _L), lambda b, idx_r, u_r: (b, 0, 0)),
            pl.BlockSpec((1, 1, 1), lambda b, idx_r, u_r: (idx_r[b], 0, 0)),
            pl.BlockSpec(memory_space=pl.ANY),
            pl.BlockSpec(memory_space=pl.ANY),
        ],
        out_specs=[
            pl.BlockSpec((1, _S, _L), lambda b, idx_r, u_r: (b, 0, 0)),
            pl.BlockSpec((1, _S, _L), lambda b, idx_r, u_r: (idx_r[b], 0, 0)),
            pl.BlockSpec((1, 1, 1), lambda b, idx_r, u_r: (b, 0, 0)),
            pl.BlockSpec((1, 1, 1), lambda b, idx_r, u_r: (idx_r[b], 0, 0)),
        ],
    )
    out_r, newbuf, outns, newns = pl.pallas_call(
        _gs_body,
        grid_spec=grid_spec,
        out_shape=[
            jax.ShapeDtypeStruct((_B, _S, _L), jnp.float32),
            jax.ShapeDtypeStruct((_N, _S, _L), jnp.float32),
            jax.ShapeDtypeStruct((_B, 1, 1), jnp.float32),
            jax.ShapeDtypeStruct((_N, 1, 1), jnp.float32),
        ],
        input_output_aliases={5: 1, 6: 3},
    )(idx, u, bufr, noiser, ns3, newbuf0, newns0)

    return (
        out_r.reshape(_B, _H, _W),
        outns.reshape(_B),
        newbuf.reshape(_N, _H, _W),
        newns.reshape(_N),
    )

# --- scband reference (transcript-rebuilt; emitter-appended) ---
"""Pipeline reference for scband-sampler-40870908789322 (READ-ONLY COPY).

The authoritative reference and input builder live on the scoring server;
editing this copy changes nothing except your own understanding.
"""

import jax, jax.numpy as jnp
import numpy as np

REINIT_P = 0.05
INIT_VAL = 1.0
BUF_SHAPE = (10000, 250, 100)
B = 128

def setup_inputs(seed: int = 0) -> dict:
    key = jax.random.key(seed)
    k1, k2, k3, k4 = jax.random.split(key, 4)
    # Registered buffers of the Sampler module (learned/persistent state)
    buffer = jax.random.uniform(k1, BUF_SHAPE, jnp.float32, -INIT_VAL, INIT_VAL)
    buffer_numsteps = jnp.zeros((BUF_SHAPE[0],), jnp.float32)
    # Forward inputs: which buffer rows to draw (persistent-divergence init),
    # uniform draws deciding re-initialization, and fresh uniform noise.
    idx = jax.random.randint(k2, (B,), 0, BUF_SHAPE[0]).astype(jnp.int64)
    u = jax.random.uniform(k3, (B,), jnp.float32)
    noise = jax.random.uniform(k4, (B,) + BUF_SHAPE[1:], jnp.float32, -INIT_VAL, INIT_VAL)
    return {"buffer": buffer, "buffer_numsteps": buffer_numsteps, "noise": noise, "u": u, "idx": idx}

def reference(buffer, buffer_numsteps, noise, u, idx):
    # Faithful translation of Sampler.init_pd_like: draw B samples from the
    # persistent SGLD replay buffer; with probability reinit_p, replace a
    # sample with a fresh uniform(-init_val, init_val) initialization and
    # reset its step counter to zero.
    samples = jnp.take(buffer, idx, axis=0)                 # gather [B, 250, 100]
    numsteps = jnp.take(buffer_numsteps, idx, axis=0)       # gather [B]
    reinit_mask = u < REINIT_P                               # bernoulli(reinit_p)
    out = jnp.where(reinit_mask[:, None, None], noise, samples)
    numsteps = jnp.where(reinit_mask, jnp.zeros_like(numsteps), numsteps)
    # Persist the (re)initialized samples back into the buffer (scatter-overwrite),
    # as the sampler does after SGLD updates.
    new_buffer = buffer.at[idx].set(out)
    new_numsteps = buffer_numsteps.at[idx].set(numsteps)
    return out, numsteps, new_buffer, new_numsteps

if __name__ == "__main__":
    import jax
    _d = setup_inputs()
    print(jax.jit(kernel)(*tuple(_d.values())))

</pallas_src>

<mosaic_0001>
module attributes {stable_mosaic.version = 14 : i64} {
  func.func @_copy_body(%arg0: memref<10000x8x3125xf32, #tpu.memory_space<any>>, %arg1: memref<10000x1x1xf32, #tpu.memory_space<any>>, %arg2: memref<10000x8x3125xf32, #tpu.memory_space<any>>, %arg3: memref<10000x1x1xf32, #tpu.memory_space<any>>, %arg4: memref<17x!tpu.dma_semaphore, #tpu.memory_space<semaphore_mem>>) attributes {dimension_semantics = [], scalar_prefetch = 0 : i64, scratch_operands = 1 : i64, tpu.core_type = #tpu.core_type<tc>} {
    %dma_start3A = arith.constant 0 : i32
    %dma_start3A_0 = tpu.memref_slice %arg4[%dma_start3A] : memref<17x!tpu.dma_semaphore, #tpu.memory_space<semaphore_mem>> -> memref<1x!tpu.dma_semaphore, #tpu.memory_space<semaphore_mem>>
    %dma_start3A_1 = tpu.memref_squeeze %dma_start3A_0 : memref<1x!tpu.dma_semaphore, #tpu.memory_space<semaphore_mem>> -> memref<!tpu.dma_semaphore, #tpu.memory_space<semaphore_mem>>
    %dma_start3A_2 = arith.constant 0 : i32
    %dma_start3A_3 = arith.constant 0 : i32
    %dma_start3A_4 = arith.constant 0 : i32
    %dma_start3A_5 = tpu.memref_slice %arg2[%dma_start3A_2, %dma_start3A_3, %dma_start3A_4] : memref<10000x8x3125xf32, #tpu.memory_space<any>> -> memref<625x8x3125xf32, #tpu.memory_space<any>>
    %dma_start3A_6 = arith.constant 0 : i32
    %dma_start3A_7 = arith.constant 0 : i32
    %dma_start3A_8 = arith.constant 0 : i32
    %dma_start3A_9 = tpu.memref_slice %arg0[%dma_start3A_6, %dma_start3A_7, %dma_start3A_8] : memref<10000x8x3125xf32, #tpu.memory_space<any>> -> memref<625x8x3125xf32, #tpu.memory_space<any>>
    tpu.enqueue_dma source(%dma_start3A_9 : memref<625x8x3125xf32, #tpu.memory_space<any>>) target(%dma_start3A_5 : memref<625x8x3125xf32, #tpu.memory_space<any>>) target_semaphore(%dma_start3A_1 : memref<!tpu.dma_semaphore, #tpu.memory_space<semaphore_mem>>)
    %dma_start3A_10 = arith.constant 1 : i32
    %dma_start3A_11 = tpu.memref_slice %arg4[%dma_start3A_10] : memref<17x!tpu.dma_semaphore, #tpu.memory_space<semaphore_mem>> -> memref<1x!tpu.dma_semaphore, #tpu.memory_space<semaphore_mem>>
    %dma_start3A_12 = tpu.memref_squeeze %dma_start3A_11 : memref<1x!tpu.dma_semaphore, #tpu.memory_space<semaphore_mem>> -> memref<!tpu.dma_semaphore, #tpu.memory_space<semaphore_mem>>
    %dma_start3A_13 = arith.constant 625 : i32
    %dma_start3A_14 = arith.constant 0 : i32
    %dma_start3A_15 = arith.constant 0 : i32
    %dma_start3A_16 = tpu.memref_slice %arg2[%dma_start3A_13, %dma_start3A_14, %dma_start3A_15] : memref<10000x8x3125xf32, #tpu.memory_space<any>> -> memref<625x8x3125xf32, #tpu.memory_space<any>>
    %dma_start3A_17 = arith.constant 625 : i32
    %dma_start3A_18 = arith.constant 0 : i32
    %dma_start3A_19 = arith.constant 0 : i32
    %dma_start3A_20 = tpu.memref_slice %arg0[%dma_start3A_17, %dma_start3A_18, %dma_start3A_19] : memref<10000x8x3125xf32, #tpu.memory_space<any>> -> memref<625x8x3125xf32, #tpu.memory_space<any>>
    tpu.enqueue_dma source(%dma_start3A_20 : memref<625x8x3125xf32, #tpu.memory_space<any>>) target(%dma_start3A_16 : memref<625x8x3125xf32, #tpu.memory_space<any>>) target_semaphore(%dma_start3A_12 : memref<!tpu.dma_semaphore, #tpu.memory_space<semaphore_mem>>)
    %dma_start3A_21 = arith.constant 2 : i32
    %dma_start3A_22 = tpu.memref_slice %arg4[%dma_start3A_21] : memref<17x!tpu.dma_semaphore, #tpu.memory_space<semaphore_mem>> -> memref<1x!tpu.dma_semaphore, #tpu.memory_space<semaphore_mem>>
    %dma_start3A_23 = tpu.memref_squeeze %dma_start3A_22 : memref<1x!tpu.dma_semaphore, #tpu.memory_space<semaphore_mem>> -> memref<!tpu.dma_semaphore, #tpu.memory_space<semaphore_mem>>
    %dma_start3A_24 = arith.constant 1250 : i32
    %dma_start3A_25 = arith.constant 0 : i32
    %dma_start3A_26 = arith.constant 0 : i32
    %dma_start3A_27 = tpu.memref_slice %arg2[%dma_start3A_24, %dma_start3A_25, %dma_start3A_26] : memref<10000x8x3125xf32, #tpu.memory_space<any>> -> memref<625x8x3125xf32, #tpu.memory_space<any>>
    %dma_start3A_28 = arith.constant 1250 : i32
    %dma_start3A_29 = arith.constant 0 : i32
    %dma_start3A_30 = arith.constant 0 : i32
    %dma_start3A_31 = tpu.memref_slice %arg0[%dma_start3A_28, %dma_start3A_29, %dma_start3A_30] : memref<10000x8x3125xf32, #tpu.memory_space<any>> -> memref<625x8x3125xf32, #tpu.memory_space<any>>
    tpu.enqueue_dma source(%dma_start3A_31 : memref<625x8x3125xf32, #tpu.memory_space<any>>) target(%dma_start3A_27 : memref<625x8x3125xf32, #tpu.memory_space<any>>) target_semaphore(%dma_start3A_23 : memref<!tpu.dma_semaphore, #tpu.memory_space<semaphore_mem>>)
    %dma_start3A_32 = arith.constant 3 : i32
    %dma_start3A_33 = tpu.memref_slice %arg4[%dma_start3A_32] : memref<17x!tpu.dma_semaphore, #tpu.memory_space<semaphore_mem>> -> memref<1x!tpu.dma_semaphore, #tpu.memory_space<semaphore_mem>>
    %dma_start3A_34 = tpu.memref_squeeze %dma_start3A_33 : memref<1x!tpu.dma_semaphore, #tpu.memory_space<semaphore_mem>> -> memref<!tpu.dma_semaphore, #tpu.memory_space<semaphore_mem>>
    %dma_start3A_35 = arith.constant 1875 : i32
    %dma_start3A_36 = arith.constant 0 : i32
    %dma_start3A_37 = arith.constant 0 : i32
    %dma_start3A_38 = tpu.memref_slice %arg2[%dma_start3A_35, %dma_start3A_36, %dma_start3A_37] : memref<10000x8x3125xf32, #tpu.memory_space<any>> -> memref<625x8x3125xf32, #tpu.memory_space<any>>
    %dma_start3A_39 = arith.constant 1875 : i32
    %dma_start3A_40 = arith.constant 0 : i32
    %dma_start3A_41 = arith.constant 0 : i32
    %dma_start3A_42 = tpu.memref_slice %arg0[%dma_start3A_39, %dma_start3A_40, %dma_start3A_41] : memref<10000x8x3125xf32, #tpu.memory_space<any>> -> memref<625x8x3125xf32, #tpu.memory_space<any>>
    tpu.enqueue_dma source(%dma_start3A_42 : memref<625x8x3125xf32, #tpu.memory_space<any>>) target(%dma_start3A_38 : memref<625x8x3125xf32, #tpu.memory_space<any>>) target_semaphore(%dma_start3A_34 : memref<!tpu.dma_semaphore, #tpu.memory_space<semaphore_mem>>)
    %dma_start3A_43 = arith.constant 4 : i32
    %dma_start3A_44 = tpu.memref_slice %arg4[%dma_start3A_43] : memref<17x!tpu.dma_semaphore, #tpu.memory_space<semaphore_mem>> -> memref<1x!tpu.dma_semaphore, #tpu.memory_space<semaphore_mem>>
    %dma_start3A_45 = tpu.memref_squeeze %dma_start3A_44 : memref<1x!tpu.dma_semaphore, #tpu.memory_space<semaphore_mem>> -> memref<!tpu.dma_semaphore, #tpu.memory_space<semaphore_mem>>
    %dma_start3A_46 = arith.constant 2500 : i32
    %dma_start3A_47 = arith.constant 0 : i32
    %dma_start3A_48 = arith.constant 0 : i32
    %dma_start3A_49 = tpu.memref_slice %arg2[%dma_start3A_46, %dma_start3A_47, %dma_start3A_48] : memref<10000x8x3125xf32, #tpu.memory_space<any>> -> memref<625x8x3125xf32, #tpu.memory_space<any>>
    %dma_start3A_50 = arith.constant 2500 : i32
    %dma_start3A_51 = arith.constant 0 : i32
    %dma_start3A_52 = arith.constant 0 : i32
    %dma_start3A_53 = tpu.memref_slice %arg0[%dma_start3A_50, %dma_start3A_51, %dma_start3A_52] : memref<10000x8x3125xf32, #tpu.memory_space<any>> -> memref<625x8x3125xf32, #tpu.memory_space<any>>
    tpu.enqueue_dma source(%dma_start3A_53 : memref<625x8x3125xf32, #tpu.memory_space<any>>) target(%dma_start3A_49 : memref<625x8x3125xf32, #tpu.memory_space<any>>) target_semaphore(%dma_start3A_45 : memref<!tpu.dma_semaphore, #tpu.memory_space<semaphore_mem>>)
    %dma_start3A_54 = arith.constant 5 : i32
    %dma_start3A_55 = tpu.memref_slice %arg4[%dma_start3A_54] : memref<17x!tpu.dma_semaphore, #tpu.memory_space<semaphore_mem>> -> memref<1x!tpu.dma_semaphore, #tpu.memory_space<semaphore_mem>>
    %dma_start3A_56 = tpu.memref_squeeze %dma_start3A_55 : memref<1x!tpu.dma_semaphore, #tpu.memory_space<semaphore_mem>> -> memref<!tpu.dma_semaphore, #tpu.memory_space<semaphore_mem>>
    %dma_start3A_57 = arith.constant 3125 : i32
    %dma_start3A_58 = arith.constant 0 : i32
    %dma_start3A_59 = arith.constant 0 : i32
    %dma_start3A_60 = tpu.memref_slice %arg2[%dma_start3A_57, %dma_start3A_58, %dma_start3A_59] : memref<10000x8x3125xf32, #tpu.memory_space<any>> -> memref<625x8x3125xf32, #tpu.memory_space<any>>
    %dma_start3A_61 = arith.constant 3125 : i32
    %dma_start3A_62 = arith.constant 0 : i32
    %dma_start3A_63 = arith.constant 0 : i32
    %dma_start3A_64 = tpu.memref_slice %arg0[%dma_start3A_61, %dma_start3A_62, %dma_start3A_63] : memref<10000x8x3125xf32, #tpu.memory_space<any>> -> memref<625x8x3125xf32, #tpu.memory_space<any>>
    tpu.enqueue_dma source(%dma_start3A_64 : memref<625x8x3125xf32, #tpu.memory_space<any>>) target(%dma_start3A_60 : memref<625x8x3125xf32, #tpu.memory_space<any>>) target_semaphore(%dma_start3A_56 : memref<!tpu.dma_semaphore, #tpu.memory_space<semaphore_mem>>)
    %dma_start3A_65 = arith.constant 6 : i32
    %dma_start3A_66 = tpu.memref_slice %arg4[%dma_start3A_65] : memref<17x!tpu.dma_semaphore, #tpu.memory_space<semaphore_mem>> -> memref<1x!tpu.dma_semaphore, #tpu.memory_space<semaphore_mem>>
    %dma_start3A_67 = tpu.memref_squeeze %dma_start3A_66 : memref<1x!tpu.dma_semaphore, #tpu.memory_space<semaphore_mem>> -> memref<!tpu.dma_semaphore, #tpu.memory_space<semaphore_mem>>
    %dma_start3A_68 = arith.constant 3750 : i32
    %dma_start3A_69 = arith.constant 0 : i32
    %dma_start3A_70 = arith.constant 0 : i32
    %dma_start3A_71 = tpu.memref_slice %arg2[%dma_start3A_68, %dma_start3A_69, %dma_start3A_70] : memref<10000x8x3125xf32, #tpu.memory_space<any>> -> memref<625x8x3125xf32, #tpu.memory_space<any>>
    %dma_start3A_72 = arith.constant 3750 : i32
    %dma_start3A_73 = arith.constant 0 : i32
    %dma_start3A_74 = arith.constant 0 : i32
    %dma_start3A_75 = tpu.memref_slice %arg0[%dma_start3A_72, %dma_start3A_73, %dma_start3A_74] : memref<10000x8x3125xf32, #tpu.memory_space<any>> -> memref<625x8x3125xf32, #tpu.memory_space<any>>
    tpu.enqueue_dma source(%dma_start3A_75 : memref<625x8x3125xf32, #tpu.memory_space<any>>) target(%dma_start3A_71 : memref<625x8x3125xf32, #tpu.memory_space<any>>) target_semaphore(%dma_start3A_67 : memref<!tpu.dma_semaphore, #tpu.memory_space<semaphore_mem>>)
    %dma_start3A_76 = arith.constant 7 : i32
    %dma_start3A_77 = tpu.memref_slice %arg4[%dma_start3A_76] : memref<17x!tpu.dma_semaphore, #tpu.memory_space<semaphore_mem>> -> memref<1x!tpu.dma_semaphore, #tpu.memory_space<semaphore_mem>>
    %dma_start3A_78 = tpu.memref_squeeze %dma_start3A_77 : memref<1x!tpu.dma_semaphore, #tpu.memory_space<semaphore_mem>> -> memref<!tpu.dma_semaphore, #tpu.memory_space<semaphore_mem>>
    %dma_start3A_79 = arith.constant 4375 : i32
    %dma_start3A_80 = arith.constant 0 : i32
    %dma_start3A_81 = arith.constant 0 : i32
    %dma_start3A_82 = tpu.memref_slice %arg2[%dma_start3A_79, %dma_start3A_80, %dma_start3A_81] : memref<10000x8x3125xf32, #tpu.memory_space<any>> -> memref<625x8x3125xf32, #tpu.memory_space<any>>
    %dma_start3A_83 = arith.constant 4375 : i32
    %dma_start3A_84 = arith.constant 0 : i32
    %dma_start3A_85 = arith.constant 0 : i32
    %dma_start3A_86 = tpu.memref_slice %arg0[%dma_start3A_83, %dma_start3A_84, %dma_start3A_85] : memref<10000x8x3125xf32, #tpu.memory_space<any>> -> memref<625x8x3125xf32, #tpu.memory_space<any>>
    tpu.enqueue_dma source(%dma_start3A_86 : memref<625x8x3125xf32, #tpu.memory_space<any>>) target(%dma_start3A_82 : memref<625x8x3125xf32, #tpu.memory_space<any>>) target_semaphore(%dma_start3A_78 : memref<!tpu.dma_semaphore, #tpu.memory_space<semaphore_mem>>)
    %dma_start3A_87 = arith.constant 8 : i32
    %dma_start3A_88 = tpu.memref_slice %arg4[%dma_start3A_87] : memref<17x!tpu.dma_semaphore, #tpu.memory_space<semaphore_mem>> -> memref<1x!tpu.dma_semaphore, #tpu.memory_space<semaphore_mem>>
    %dma_start3A_89 = tpu.memref_squeeze %dma_start3A_88 : memref<1x!tpu.dma_semaphore, #tpu.memory_space<semaphore_mem>> -> memref<!tpu.dma_semaphore, #tpu.memory_space<semaphore_mem>>
    %dma_start3A_90 = arith.constant 5000 : i32
    %dma_start3A_91 = arith.constant 0 : i32
    %dma_start3A_92 = arith.constant 0 : i32
    %dma_start3A_93 = tpu.memref_slice %arg2[%dma_start3A_90, %dma_start3A_91, %dma_start3A_92] : memref<10000x8x3125xf32, #tpu.memory_space<any>> -> memref<625x8x3125xf32, #tpu.memory_space<any>>
    %dma_start3A_94 = arith.constant 5000 : i32
    %dma_start3A_95 = arith.constant 0 : i32
    %dma_start3A_96 = arith.constant 0 : i32
    %dma_start3A_97 = tpu.memref_slice %arg0[%dma_start3A_94, %dma_start3A_95, %dma_start3A_96] : memref<10000x8x3125xf32, #tpu.memory_space<any>> -> memref<625x8x3125xf32, #tpu.memory_space<any>>
    tpu.enqueue_dma source(%dma_start3A_97 : memref<625x8x3125xf32, #tpu.memory_space<any>>) target(%dma_start3A_93 : memref<625x8x3125xf32, #tpu.memory_space<any>>) target_semaphore(%dma_start3A_89 : memref<!tpu.dma_semaphore, #tpu.memory_space<semaphore_mem>>)
    %dma_start3A_98 = arith.constant 9 : i32
    %dma_start3A_99 = tpu.memref_slice %arg4[%dma_start3A_98] : memref<17x!tpu.dma_semaphore, #tpu.memory_space<semaphore_mem>> -> memref<1x!tpu.dma_semaphore, #tpu.memory_space<semaphore_mem>>
    %dma_start3A_100 = tpu.memref_squeeze %dma_start3A_99 : memref<1x!tpu.dma_semaphore, #tpu.memory_space<semaphore_mem>> -> memref<!tpu.dma_semaphore, #tpu.memory_space<semaphore_mem>>
    %dma_start3A_101 = arith.constant 5625 : i32
    %dma_start3A_102 = arith.constant 0 : i32
    %dma_start3A_103 = arith.constant 0 : i32
    %dma_start3A_104 = tpu.memref_slice %arg2[%dma_start3A_101, %dma_start3A_102, %dma_start3A_103] : memref<10000x8x3125xf32, #tpu.memory_space<any>> -> memref<625x8x3125xf32, #tpu.memory_space<any>>
    %dma_start3A_105 = arith.constant 5625 : i32
    %dma_start3A_106 = arith.constant 0 : i32
    %dma_start3A_107 = arith.constant 0 : i32
    %dma_start3A_108 = tpu.memref_slice %arg0[%dma_start3A_105, %dma_start3A_106, %dma_start3A_107] : memref<10000x8x3125xf32, #tpu.memory_space<any>> -> memref<625x8x3125xf32, #tpu.memory_space<any>>
    tpu.enqueue_dma source(%dma_start3A_108 : memref<625x8x3125xf32, #tpu.memory_space<any>>) target(%dma_start3A_104 : memref<625x8x3125xf32, #tpu.memory_space<any>>) target_semaphore(%dma_start3A_100 : memref<!tpu.dma_semaphore, #tpu.memory_space<semaphore_mem>>)
    %dma_start3A_109 = arith.constant 10 : i32
    %dma_start3A_110 = tpu.memref_slice %arg4[%dma_start3A_109] : memref<17x!tpu.dma_semaphore, #tpu.memory_space<semaphore_mem>> -> memref<1x!tpu.dma_semaphore, #tpu.memory_space<semaphore_mem>>
    %dma_start3A_111 = tpu.memref_squeeze %dma_start3A_110 : memref<1x!tpu.dma_semaphore, #tpu.memory_space<semaphore_mem>> -> memref<!tpu.dma_semaphore, #tpu.memory_space<semaphore_mem>>
    %dma_start3A_112 = arith.constant 6250 : i32
    %dma_start3A_113 = arith.constant 0 : i32
    %dma_start3A_114 = arith.constant 0 : i32
    %dma_start3A_115 = tpu.memref_slice %arg2[%dma_start3A_112, %dma_start3A_113, %dma_start3A_114] : memref<10000x8x3125xf32, #tpu.memory_space<any>> -> memref<625x8x3125xf32, #tpu.memory_space<any>>
    %dma_start3A_116 = arith.constant 6250 : i32
    %dma_start3A_117 = arith.constant 0 : i32
    %dma_start3A_118 = arith.constant 0 : i32
    %dma_start3A_119 = tpu.memref_slice %arg0[%dma_start3A_116, %dma_start3A_117, %dma_start3A_118] : memref<10000x8x3125xf32, #tpu.memory_space<any>> -> memref<625x8x3125xf32, #tpu.memory_space<any>>
    tpu.enqueue_dma source(%dma_start3A_119 : memref<625x8x3125xf32, #tpu.memory_space<any>>) target(%dma_start3A_115 : memref<625x8x3125xf32, #tpu.memory_space<any>>) target_semaphore(%dma_start3A_111 : memref<!tpu.dma_semaphore, #tpu.memory_space<semaphore_mem>>)
    %dma_start3A_120 = arith.constant 11 : i32
    %dma_start3A_121 = tpu.memref_slice %arg4[%dma_start3A_120] : memref<17x!tpu.dma_semaphore, #tpu.memory_space<semaphore_mem>> -> memref<1x!tpu.dma_semaphore, #tpu.memory_space<semaphore_mem>>
    %dma_start3A_122 = tpu.memref_squeeze %dma_start3A_121 : memref<1x!tpu.dma_semaphore, #tpu.memory_space<semaphore_mem>> -> memref<!tpu.dma_semaphore, #tpu.memory_space<semaphore_mem>>
    %dma_start3A_123 = arith.constant 6875 : i32
    %dma_start3A_124 = arith.constant 0 : i32
    %dma_start3A_125 = arith.constant 0 : i32
    %dma_start3A_126 = tpu.memref_slice %arg2[%dma_start3A_123, %dma_start3A_124, %dma_start3A_125] : memref<10000x8x3125xf32, #tpu.memory_space<any>> -> memref<625x8x3125xf32, #tpu.memory_space<any>>
    %dma_start3A_127 = arith.constant 6875 : i32
    %dma_start3A_128 = arith.constant 0 : i32
    %dma_start3A_129 = arith.constant 0 : i32
    %dma_start3A_130 = tpu.memref_slice %arg0[%dma_start3A_127, %dma_start3A_128, %dma_start3A_129] : memref<10000x8x3125xf32, #tpu.memory_space<any>> -> memref<625x8x3125xf32, #tpu.memory_space<any>>
    tpu.enqueue_dma source(%dma_start3A_130 : memref<625x8x3125xf32, #tpu.memory_space<any>>) target(%dma_start3A_126 : memref<625x8x3125xf32, #tpu.memory_space<any>>) target_semaphore(%dma_start3A_122 : memref<!tpu.dma_semaphore, #tpu.memory_space<semaphore_mem>>)
    %dma_start3A_131 = arith.constant 12 : i32
    %dma_start3A_132 = tpu.memref_slice %arg4[%dma_start3A_131] : memref<17x!tpu.dma_semaphore, #tpu.memory_space<semaphore_mem>> -> memref<1x!tpu.dma_semaphore, #tpu.memory_space<semaphore_mem>>
    %dma_start3A_133 = tpu.memref_squeeze %dma_start3A_132 : memref<1x!tpu.dma_semaphore, #tpu.memory_space<semaphore_mem>> -> memref<!tpu.dma_semaphore, #tpu.memory_space<semaphore_mem>>
    %dma_start3A_134 = arith.constant 7500 : i32
    %dma_start3A_135 = arith.constant 0 : i32
    %dma_start3A_136 = arith.constant 0 : i32
    %dma_start3A_137 = tpu.memref_slice %arg2[%dma_start3A_134, %dma_start3A_135, %dma_start3A_136] : memref<10000x8x3125xf32, #tpu.memory_space<any>> -> memref<625x8x3125xf32, #tpu.memory_space<any>>
    %dma_start3A_138 = arith.constant 7500 : i32
    %dma_start3A_139 = arith.constant 0 : i32
    %dma_start3A_140 = arith.constant 0 : i32
    %dma_start3A_141 = tpu.memref_slice %arg0[%dma_start3A_138, %dma_start3A_139, %dma_start3A_140] : memref<10000x8x3125xf32, #tpu.memory_space<any>> -> memref<625x8x3125xf32, #tpu.memory_space<any>>
    tpu.enqueue_dma source(%dma_start3A_141 : memref<625x8x3125xf32, #tpu.memory_space<any>>) target(%dma_start3A_137 : memref<625x8x3125xf32, #tpu.memory_space<any>>) target_semaphore(%dma_start3A_133 : memref<!tpu.dma_semaphore, #tpu.memory_space<semaphore_mem>>)
    %dma_start3A_142 = arith.constant 13 : i32
    %dma_start3A_143 = tpu.memref_slice %arg4[%dma_start3A_142] : memref<17x!tpu.dma_semaphore, #tpu.memory_space<semaphore_mem>> -> memref<1x!tpu.dma_semaphore, #tpu.memory_space<semaphore_mem>>
    %dma_start3A_144 = tpu.memref_squeeze %dma_start3A_143 : memref<1x!tpu.dma_semaphore, #tpu.memory_space<semaphore_mem>> -> memref<!tpu.dma_semaphore, #tpu.memory_space<semaphore_mem>>
    %dma_start3A_145 = arith.constant 8125 : i32
    %dma_start3A_146 = arith.constant 0 : i32
    %dma_start3A_147 = arith.constant 0 : i32
    %dma_start3A_148 = tpu.memref_slice %arg2[%dma_start3A_145, %dma_start3A_146, %dma_start3A_147] : memref<10000x8x3125xf32, #tpu.memory_space<any>> -> memref<625x8x3125xf32, #tpu.memory_space<any>>
    %dma_start3A_149 = arith.constant 8125 : i32
    %dma_start3A_150 = arith.constant 0 : i32
    %dma_start3A_151 = arith.constant 0 : i32
    %dma_start3A_152 = tpu.memref_slice %arg0[%dma_start3A_149, %dma_start3A_150, %dma_start3A_151] : memref<10000x8x3125xf32, #tpu.memory_space<any>> -> memref<625x8x3125xf32, #tpu.memory_space<any>>
    tpu.enqueue_dma source(%dma_start3A_152 : memref<625x8x3125xf32, #tpu.memory_space<any>>) target(%dma_start3A_148 : memref<625x8x3125xf32, #tpu.memory_space<any>>) target_semaphore(%dma_start3A_144 : memref<!tpu.dma_semaphore, #tpu.memory_space<semaphore_mem>>)
    %dma_start3A_153 = arith.constant 14 : i32
    %dma_start3A_154 = tpu.memref_slice %arg4[%dma_start3A_153] : memref<17x!tpu.dma_semaphore, #tpu.memory_space<semaphore_mem>> -> memref<1x!tpu.dma_semaphore, #tpu.memory_space<semaphore_mem>>
    %dma_start3A_155 = tpu.memref_squeeze %dma_start3A_154 : memref<1x!tpu.dma_semaphore, #tpu.memory_space<semaphore_mem>> -> memref<!tpu.dma_semaphore, #tpu.memory_space<semaphore_mem>>
    %dma_start3A_156 = arith.constant 8750 : i32
    %dma_start3A_157 = arith.constant 0 : i32
    %dma_start3A_158 = arith.constant 0 : i32
    %dma_start3A_159 = tpu.memref_slice %arg2[%dma_start3A_156, %dma_start3A_157, %dma_start3A_158] : memref<10000x8x3125xf32, #tpu.memory_space<any>> -> memref<625x8x3125xf32, #tpu.memory_space<any>>
    %dma_start3A_160 = arith.constant 8750 : i32
    %dma_start3A_161 = arith.constant 0 : i32
    %dma_start3A_162 = arith.constant 0 : i32
    %dma_start3A_163 = tpu.memref_slice %arg0[%dma_start3A_160, %dma_start3A_161, %dma_start3A_162] : memref<10000x8x3125xf32, #tpu.memory_space<any>> -> memref<625x8x3125xf32, #tpu.memory_space<any>>
    tpu.enqueue_dma source(%dma_start3A_163 : memref<625x8x3125xf32, #tpu.memory_space<any>>) target(%dma_start3A_159 : memref<625x8x3125xf32, #tpu.memory_space<any>>) target_semaphore(%dma_start3A_155 : memref<!tpu.dma_semaphore, #tpu.memory_space<semaphore_mem>>)
    %dma_start3A_164 = arith.constant 15 : i32
    %dma_start3A_165 = tpu.memref_slice %arg4[%dma_start3A_164] : memref<17x!tpu.dma_semaphore, #tpu.memory_space<semaphore_mem>> -> memref<1x!tpu.dma_semaphore, #tpu.memory_space<semaphore_mem>>
    %dma_start3A_166 = tpu.memref_squeeze %dma_start3A_165 : memref<1x!tpu.dma_semaphore, #tpu.memory_space<semaphore_mem>> -> memref<!tpu.dma_semaphore, #tpu.memory_space<semaphore_mem>>
    %dma_start3A_167 = arith.constant 9375 : i32
    %dma_start3A_168 = arith.constant 0 : i32
    %dma_start3A_169 = arith.constant 0 : i32
    %dma_start3A_170 = tpu.memref_slice %arg2[%dma_start3A_167, %dma_start3A_168, %dma_start3A_169] : memref<10000x8x3125xf32, #tpu.memory_space<any>> -> memref<625x8x3125xf32, #tpu.memory_space<any>>
    %dma_start3A_171 = arith.constant 9375 : i32
    %dma_start3A_172 = arith.constant 0 : i32
    %dma_start3A_173 = arith.constant 0 : i32
    %dma_start3A_174 = tpu.memref_slice %arg0[%dma_start3A_171, %dma_start3A_172, %dma_start3A_173] : memref<10000x8x3125xf32, #tpu.memory_space<any>> -> memref<625x8x3125xf32, #tpu.memory_space<any>>
    tpu.enqueue_dma source(%dma_start3A_174 : memref<625x8x3125xf32, #tpu.memory_space<any>>) target(%dma_start3A_170 : memref<625x8x3125xf32, #tpu.memory_space<any>>) target_semaphore(%dma_start3A_166 : memref<!tpu.dma_semaphore, #tpu.memory_space<semaphore_mem>>)
    %dma_start3A_175 = arith.constant 16 : i32
    %dma_start3A_176 = tpu.memref_slice %arg4[%dma_start3A_175] : memref<17x!tpu.dma_semaphore, #tpu.memory_space<semaphore_mem>> -> memref<1x!tpu.dma_semaphore, #tpu.memory_space<semaphore_mem>>
    %dma_start3A_177 = tpu.memref_squeeze %dma_start3A_176 : memref<1x!tpu.dma_semaphore, #tpu.memory_space<semaphore_mem>> -> memref<!tpu.dma_semaphore, #tpu.memory_space<semaphore_mem>>
    tpu.enqueue_dma source(%arg1 : memref<10000x1x1xf32, #tpu.memory_space<any>>) target(%arg3 : memref<10000x1x1xf32, #tpu.memory_space<any>>) target_semaphore(%dma_start3A_177 : memref<!tpu.dma_semaphore, #tpu.memory_space<semaphore_mem>>)
    %dma_wait3A = arith.constant 0 : i32
    %dma_wait3A_178 = tpu.memref_slice %arg4[%dma_wait3A] : memref<17x!tpu.dma_semaphore, #tpu.memory_space<semaphore_mem>> -> memref<1x!tpu.dma_semaphore, #tpu.memory_space<semaphore_mem>>
    %dma_wait3A_179 = tpu.memref_squeeze %dma_wait3A_178 : memref<1x!tpu.dma_semaphore, #tpu.memory_space<semaphore_mem>> -> memref<!tpu.dma_semaphore, #tpu.memory_space<semaphore_mem>>
    %dma_wait3A_180 = arith.constant 0 : i32
    %dma_wait3A_181 = arith.constant 0 : i32
    %dma_wait3A_182 = arith.constant 0 : i32
    %dma_wait3A_183 = tpu.memref_slice %arg2[%dma_wait3A_180, %dma_wait3A_181, %dma_wait3A_182] : memref<10000x8x3125xf32, #tpu.memory_space<any>> -> memref<625x8x3125xf32, #tpu.memory_space<any>>
    %dma_wait3A_184 = arith.constant 0 : i32
    %dma_wait3A_185 = arith.constant 0 : i32
    %dma_wait3A_186 = arith.constant 0 : i32
    %dma_wait3A_187 = tpu.memref_slice %arg0[%dma_wait3A_184, %dma_wait3A_185, %dma_wait3A_186] : memref<10000x8x3125xf32, #tpu.memory_space<any>> -> memref<625x8x3125xf32, #tpu.memory_space<any>>
    tpu.wait_dma2 semaphore(%dma_wait3A_179 : memref<!tpu.dma_semaphore, #tpu.memory_space<semaphore_mem>>) src(%dma_wait3A_187 : memref<625x8x3125xf32, #tpu.memory_space<any>>) dst(%dma_wait3A_183 : memref<625x8x3125xf32, #tpu.memory_space<any>>)
    %dma_wait3A_188 = arith.constant 1 : i32
    %dma_wait3A_189 = tpu.memref_slice %arg4[%dma_wait3A_188] : memref<17x!tpu.dma_semaphore, #tpu.memory_space<semaphore_mem>> -> memref<1x!tpu.dma_semaphore, #tpu.memory_space<semaphore_mem>>
    %dma_wait3A_190 = tpu.memref_squeeze %dma_wait3A_189 : memref<1x!tpu.dma_semaphore, #tpu.memory_space<semaphore_mem>> -> memref<!tpu.dma_semaphore, #tpu.memory_space<semaphore_mem>>
    %dma_wait3A_191 = arith.constant 625 : i32
    %dma_wait3A_192 = arith.constant 0 : i32
    %dma_wait3A_193 = arith.constant 0 : i32
    %dma_wait3A_194 = tpu.memref_slice %arg2[%dma_wait3A_191, %dma_wait3A_192, %dma_wait3A_193] : memref<10000x8x3125xf32, #tpu.memory_space<any>> -> memref<625x8x3125xf32, #tpu.memory_space<any>>
    %dma_wait3A_195 = arith.constant 625 : i32
    %dma_wait3A_196 = arith.constant 0 : i32
    %dma_wait3A_197 = arith.constant 0 : i32
    %dma_wait3A_198 = tpu.memref_slice %arg0[%dma_wait3A_195, %dma_wait3A_196, %dma_wait3A_197] : memref<10000x8x3125xf32, #tpu.memory_space<any>> -> memref<625x8x3125xf32, #tpu.memory_space<any>>
    tpu.wait_dma2 semaphore(%dma_wait3A_190 : memref<!tpu.dma_semaphore, #tpu.memory_space<semaphore_mem>>) src(%dma_wait3A_198 : memref<625x8x3125xf32, #tpu.memory_space<any>>) dst(%dma_wait3A_194 : memref<625x8x3125xf32, #tpu.memory_space<any>>)
    %dma_wait3A_199 = arith.constant 2 : i32
    %dma_wait3A_200 = tpu.memref_slice %arg4[%dma_wait3A_199] : memref<17x!tpu.dma_semaphore, #tpu.memory_space<semaphore_mem>> -> memref<1x!tpu.dma_semaphore, #tpu.memory_space<semaphore_mem>>
    %dma_wait3A_201 = tpu.memref_squeeze %dma_wait3A_200 : memref<1x!tpu.dma_semaphore, #tpu.memory_space<semaphore_mem>> -> memref<!tpu.dma_semaphore, #tpu.memory_space<semaphore_mem>>
    %dma_wait3A_202 = arith.constant 1250 : i32
    %dma_wait3A_203 = arith.constant 0 : i32
    %dma_wait3A_204 = arith.constant 0 : i32
    %dma_wait3A_205 = tpu.memref_slice %arg2[%dma_wait3A_202, %dma_wait3A_203, %dma_wait3A_204] : memref<10000x8x3125xf32, #tpu.memory_space<any>> -> memref<625x8x3125xf32, #tpu.memory_space<any>>
    %dma_wait3A_206 = arith.constant 1250 : i32
    %dma_wait3A_207 = arith.constant 0 : i32
    %dma_wait3A_208 = arith.constant 0 : i32
    %dma_wait3A_209 = tpu.memref_slice %arg0[%dma_wait3A_206, %dma_wait3A_207, %dma_wait3A_208] : memref<10000x8x3125xf32, #tpu.memory_space<any>> -> memref<625x8x3125xf32, #tpu.memory_space<any>>
    tpu.wait_dma2 semaphore(%dma_wait3A_201 : memref<!tpu.dma_semaphore, #tpu.memory_space<semaphore_mem>>) src(%dma_wait3A_209 : memref<625x8x3125xf32, #tpu.memory_space<any>>) dst(%dma_wait3A_205 : memref<625x8x3125xf32, #tpu.memory_space<any>>)
    %dma_wait3A_210 = arith.constant 3 : i32
    %dma_wait3A_211 = tpu.memref_slice %arg4[%dma_wait3A_210] : memref<17x!tpu.dma_semaphore, #tpu.memory_space<semaphore_mem>> -> memref<1x!tpu.dma_semaphore, #tpu.memory_space<semaphore_mem>>
    %dma_wait3A_212 = tpu.memref_squeeze %dma_wait3A_211 : memref<1x!tpu.dma_semaphore, #tpu.memory_space<semaphore_mem>> -> memref<!tpu.dma_semaphore, #tpu.memory_space<semaphore_mem>>
    %dma_wait3A_213 = arith.constant 1875 : i32
    %dma_wait3A_214 = arith.constant 0 : i32
    %dma_wait3A_215 = arith.constant 0 : i32
    %dma_wait3A_216 = tpu.memref_slice %arg2[%dma_wait3A_213, %dma_wait3A_214, %dma_wait3A_215] : memref<10000x8x3125xf32, #tpu.memory_space<any>> -> memref<625x8x3125xf32, #tpu.memory_space<any>>
    %dma_wait3A_217 = arith.constant 1875 : i32
    %dma_wait3A_218 = arith.constant 0 : i32
    %dma_wait3A_219 = arith.constant 0 : i32
    %dma_wait3A_220 = tpu.memref_slice %arg0[%dma_wait3A_217, %dma_wait3A_218, %dma_wait3A_219] : memref<10000x8x3125xf32, #tpu.memory_space<any>> -> memref<625x8x3125xf32, #tpu.memory_space<any>>
    tpu.wait_dma2 semaphore(%dma_wait3A_212 : memref<!tpu.dma_semaphore, #tpu.memory_space<semaphore_mem>>) src(%dma_wait3A_220 : memref<625x8x3125xf32, #tpu.memory_space<any>>) dst(%dma_wait3A_216 : memref<625x8x3125xf32, #tpu.memory_space<any>>)
    %dma_wait3A_221 = arith.constant 4 : i32
    %dma_wait3A_222 = tpu.memref_slice %arg4[%dma_wait3A_221] : memref<17x!tpu.dma_semaphore, #tpu.memory_space<semaphore_mem>> -> memref<1x!tpu.dma_semaphore, #tpu.memory_space<semaphore_mem>>
    %dma_wait3A_223 = tpu.memref_squeeze %dma_wait3A_222 : memref<1x!tpu.dma_semaphore, #tpu.memory_space<semaphore_mem>> -> memref<!tpu.dma_semaphore, #tpu.memory_space<semaphore_mem>>
    %dma_wait3A_224 = arith.constant 2500 : i32
    %dma_wait3A_225 = arith.constant 0 : i32
    %dma_wait3A_226 = arith.constant 0 : i32
    %dma_wait3A_227 = tpu.memref_slice %arg2[%dma_wait3A_224, %dma_wait3A_225, %dma_wait3A_226] : memref<10000x8x3125xf32, #tpu.memory_space<any>> -> memref<625x8x3125xf32, #tpu.memory_space<any>>
    %dma_wait3A_228 = arith.constant 2500 : i32
    %dma_wait3A_229 = arith.constant 0 : i32
    %dma_wait3A_230 = arith.constant 0 : i32
    %dma_wait3A_231 = tpu.memref_slice %arg0[%dma_wait3A_228, %dma_wait3A_229, %dma_wait3A_230] : memref<10000x8x3125xf32, #tpu.memory_space<any>> -> memref<625x8x3125xf32, #tpu.memory_space<any>>
    tpu.wait_dma2 semaphore(%dma_wait3A_223 : memref<!tpu.dma_semaphore, #tpu.memory_space<semaphore_mem>>) src(%dma_wait3A_231 : memref<625x8x3125xf32, #tpu.memory_space<any>>) dst(%dma_wait3A_227 : memref<625x8x3125xf32, #tpu.memory_space<any>>)
    %dma_wait3A_232 = arith.constant 5 : i32
    %dma_wait3A_233 = tpu.memref_slice %arg4[%dma_wait3A_232] : memref<17x!tpu.dma_semaphore, #tpu.memory_space<semaphore_mem>> -> memref<1x!tpu.dma_semaphore, #tpu.memory_space<semaphore_mem>>
    %dma_wait3A_234 = tpu.memref_squeeze %dma_wait3A_233 : memref<1x!tpu.dma_semaphore, #tpu.memory_space<semaphore_mem>> -> memref<!tpu.dma_semaphore, #tpu.memory_space<semaphore_mem>>
    %dma_wait3A_235 = arith.constant 3125 : i32
    %dma_wait3A_236 = arith.constant 0 : i32
    %dma_wait3A_237 = arith.constant 0 : i32
    %dma_wait3A_238 = tpu.memref_slice %arg2[%dma_wait3A_235, %dma_wait3A_236, %dma_wait3A_237] : memref<10000x8x3125xf32, #tpu.memory_space<any>> -> memref<625x8x3125xf32, #tpu.memory_space<any>>
    %dma_wait3A_239 = arith.constant 3125 : i32
    %dma_wait3A_240 = arith.constant 0 : i32
    %dma_wait3A_241 = arith.constant 0 : i32
    %dma_wait3A_242 = tpu.memref_slice %arg0[%dma_wait3A_239, %dma_wait3A_240, %dma_wait3A_241] : memref<10000x8x3125xf32, #tpu.memory_space<any>> -> memref<625x8x3125xf32, #tpu.memory_space<any>>
    tpu.wait_dma2 semaphore(%dma_wait3A_234 : memref<!tpu.dma_semaphore, #tpu.memory_space<semaphore_mem>>) src(%dma_wait3A_242 : memref<625x8x3125xf32, #tpu.memory_space<any>>) dst(%dma_wait3A_238 : memref<625x8x3125xf32, #tpu.memory_space<any>>)
    %dma_wait3A_243 = arith.constant 6 : i32
    %dma_wait3A_244 = tpu.memref_slice %arg4[%dma_wait3A_243] : memref<17x!tpu.dma_semaphore, #tpu.memory_space<semaphore_mem>> -> memref<1x!tpu.dma_semaphore, #tpu.memory_space<semaphore_mem>>
    %dma_wait3A_245 = tpu.memref_squeeze %dma_wait3A_244 : memref<1x!tpu.dma_semaphore, #tpu.memory_space<semaphore_mem>> -> memref<!tpu.dma_semaphore, #tpu.memory_space<semaphore_mem>>
    %dma_wait3A_246 = arith.constant 3750 : i32
    %dma_wait3A_247 = arith.constant 0 : i32
    %dma_wait3A_248 = arith.constant 0 : i32
    %dma_wait3A_249 = tpu.memref_slice %arg2[%dma_wait3A_246, %dma_wait3A_247, %dma_wait3A_248] : memref<10000x8x3125xf32, #tpu.memory_space<any>> -> memref<625x8x3125xf32, #tpu.memory_space<any>>
    %dma_wait3A_250 = arith.constant 3750 : i32
    %dma_wait3A_251 = arith.constant 0 : i32
    %dma_wait3A_252 = arith.constant 0 : i32
    %dma_wait3A_253 = tpu.memref_slice %arg0[%dma_wait3A_250, %dma_wait3A_251, %dma_wait3A_252] : memref<10000x8x3125xf32, #tpu.memory_space<any>> -> memref<625x8x3125xf32, #tpu.memory_space<any>>
    tpu.wait_dma2 semaphore(%dma_wait3A_245 : memref<!tpu.dma_semaphore, #tpu.memory_space<semaphore_mem>>) src(%dma_wait3A_253 : memref<625x8x3125xf32, #tpu.memory_space<any>>) dst(%dma_wait3A_249 : memref<625x8x3125xf32, #tpu.memory_space<any>>)
    %dma_wait3A_254 = arith.constant 7 : i32
    %dma_wait3A_255 = tpu.memref_slice %arg4[%dma_wait3A_254] : memref<17x!tpu.dma_semaphore, #tpu.memory_space<semaphore_mem>> -> memref<1x!tpu.dma_semaphore, #tpu.memory_space<semaphore_mem>>
    %dma_wait3A_256 = tpu.memref_squeeze %dma_wait3A_255 : memref<1x!tpu.dma_semaphore, #tpu.memory_space<semaphore_mem>> -> memref<!tpu.dma_semaphore, #tpu.memory_space<semaphore_mem>>
    %dma_wait3A_257 = arith.constant 4375 : i32
    %dma_wait3A_258 = arith.constant 0 : i32
    %dma_wait3A_259 = arith.constant 0 : i32
    %dma_wait3A_260 = tpu.memref_slice %arg2[%dma_wait3A_257, %dma_wait3A_258, %dma_wait3A_259] : memref<10000x8x3125xf32, #tpu.memory_space<any>> -> memref<625x8x3125xf32, #tpu.memory_space<any>>
    %dma_wait3A_261 = arith.constant 4375 : i32
    %dma_wait3A_262 = arith.constant 0 : i32
    %dma_wait3A_263 = arith.constant 0 : i32
    %dma_wait3A_264 = tpu.memref_slice %arg0[%dma_wait3A_261, %dma_wait3A_262, %dma_wait3A_263] : memref<10000x8x3125xf32, #tpu.memory_space<any>> -> memref<625x8x3125xf32, #tpu.memory_space<any>>
    tpu.wait_dma2 semaphore(%dma_wait3A_256 : memref<!tpu.dma_semaphore, #tpu.memory_space<semaphore_mem>>) src(%dma_wait3A_264 : memref<625x8x3125xf32, #tpu.memory_space<any>>) dst(%dma_wait3A_260 : memref<625x8x3125xf32, #tpu.memory_space<any>>)
    %dma_wait3A_265 = arith.constant 8 : i32
    %dma_wait3A_266 = tpu.memref_slice %arg4[%dma_wait3A_265] : memref<17x!tpu.dma_semaphore, #tpu.memory_space<semaphore_mem>> -> memref<1x!tpu.dma_semaphore, #tpu.memory_space<semaphore_mem>>
    %dma_wait3A_267 = tpu.memref_squeeze %dma_wait3A_266 : memref<1x!tpu.dma_semaphore, #tpu.memory_space<semaphore_mem>> -> memref<!tpu.dma_semaphore, #tpu.memory_space<semaphore_mem>>
    %dma_wait3A_268 = arith.constant 5000 : i32
    %dma_wait3A_269 = arith.constant 0 : i32
    %dma_wait3A_270 = arith.constant 0 : i32
    %dma_wait3A_271 = tpu.memref_slice %arg2[%dma_wait3A_268, %dma_wait3A_269, %dma_wait3A_270] : memref<10000x8x3125xf32, #tpu.memory_space<any>> -> memref<625x8x3125xf32, #tpu.memory_space<any>>
    %dma_wait3A_272 = arith.constant 5000 : i32
    %dma_wait3A_273 = arith.constant 0 : i32
    %dma_wait3A_274 = arith.constant 0 : i32
    %dma_wait3A_275 = tpu.memref_slice %arg0[%dma_wait3A_272, %dma_wait3A_273, %dma_wait3A_274] : memref<10000x8x3125xf32, #tpu.memory_space<any>> -> memref<625x8x3125xf32, #tpu.memory_space<any>>
    tpu.wait_dma2 semaphore(%dma_wait3A_267 : memref<!tpu.dma_semaphore, #tpu.memory_space<semaphore_mem>>) src(%dma_wait3A_275 : memref<625x8x3125xf32, #tpu.memory_space<any>>) dst(%dma_wait3A_271 : memref<625x8x3125xf32, #tpu.memory_space<any>>)
    %dma_wait3A_276 = arith.constant 9 : i32
    %dma_wait3A_277 = tpu.memref_slice %arg4[%dma_wait3A_276] : memref<17x!tpu.dma_semaphore, #tpu.memory_space<semaphore_mem>> -> memref<1x!tpu.dma_semaphore, #tpu.memory_space<semaphore_mem>>
    %dma_wait3A_278 = tpu.memref_squeeze %dma_wait3A_277 : memref<1x!tpu.dma_semaphore, #tpu.memory_space<semaphore_mem>> -> memref<!tpu.dma_semaphore, #tpu.memory_space<semaphore_mem>>
    %dma_wait3A_279 = arith.constant 5625 : i32
    %dma_wait3A_280 = arith.constant 0 : i32
    %dma_wait3A_281 = arith.constant 0 : i32
    %dma_wait3A_282 = tpu.memref_slice %arg2[%dma_wait3A_279, %dma_wait3A_280, %dma_wait3A_281] : memref<10000x8x3125xf32, #tpu.memory_space<any>> -> memref<625x8x3125xf32, #tpu.memory_space<any>>
    %dma_wait3A_283 = arith.constant 5625 : i32
    %dma_wait3A_284 = arith.constant 0 : i32
    %dma_wait3A_285 = arith.constant 0 : i32
    %dma_wait3A_286 = tpu.memref_slice %arg0[%dma_wait3A_283, %dma_wait3A_284, %dma_wait3A_285] : memref<10000x8x3125xf32, #tpu.memory_space<any>> -> memref<625x8x3125xf32, #tpu.memory_space<any>>
    tpu.wait_dma2 semaphore(%dma_wait3A_278 : memref<!tpu.dma_semaphore, #tpu.memory_space<semaphore_mem>>) src(%dma_wait3A_286 : memref<625x8x3125xf32, #tpu.memory_space<any>>) dst(%dma_wait3A_282 : memref<625x8x3125xf32, #tpu.memory_space<any>>)
    %dma_wait3A_287 = arith.constant 10 : i32
    %dma_wait3A_288 = tpu.memref_slice %arg4[%dma_wait3A_287] : memref<17x!tpu.dma_semaphore, #tpu.memory_space<semaphore_mem>> -> memref<1x!tpu.dma_semaphore, #tpu.memory_space<semaphore_mem>>
    %dma_wait3A_289 = tpu.memref_squeeze %dma_wait3A_288 : memref<1x!tpu.dma_semaphore, #tpu.memory_space<semaphore_mem>> -> memref<!tpu.dma_semaphore, #tpu.memory_space<semaphore_mem>>
    %dma_wait3A_290 = arith.constant 6250 : i32
    %dma_wait3A_291 = arith.constant 0 : i32
    %dma_wait3A_292 = arith.constant 0 : i32
    %dma_wait3A_293 = tpu.memref_slice %arg2[%dma_wait3A_290, %dma_wait3A_291, %dma_wait3A_292] : memref<10000x8x3125xf32, #tpu.memory_space<any>> -> memref<625x8x3125xf32, #tpu.memory_space<any>>
    %dma_wait3A_294 = arith.constant 6250 : i32
    %dma_wait3A_295 = arith.constant 0 : i32
    %dma_wait3A_296 = arith.constant 0 : i32
    %dma_wait3A_297 = tpu.memref_slice %arg0[%dma_wait3A_294, %dma_wait3A_295, %dma_wait3A_296] : memref<10000x8x3125xf32, #tpu.memory_space<any>> -> memref<625x8x3125xf32, #tpu.memory_space<any>>
    tpu.wait_dma2 semaphore(%dma_wait3A_289 : memref<!tpu.dma_semaphore, #tpu.memory_space<semaphore_mem>>) src(%dma_wait3A_297 : memref<625x8x3125xf32, #tpu.memory_space<any>>) dst(%dma_wait3A_293 : memref<625x8x3125xf32, #tpu.memory_space<any>>)
    %dma_wait3A_298 = arith.constant 11 : i32
    %dma_wait3A_299 = tpu.memref_slice %arg4[%dma_wait3A_298] : memref<17x!tpu.dma_semaphore, #tpu.memory_space<semaphore_mem>> -> memref<1x!tpu.dma_semaphore, #tpu.memory_space<semaphore_mem>>
    %dma_wait3A_300 = tpu.memref_squeeze %dma_wait3A_299 : memref<1x!tpu.dma_semaphore, #tpu.memory_space<semaphore_mem>> -> memref<!tpu.dma_semaphore, #tpu.memory_space<semaphore_mem>>
    %dma_wait3A_301 = arith.constant 6875 : i32
    %dma_wait3A_302 = arith.constant 0 : i32
    %dma_wait3A_303 = arith.constant 0 : i32
    %dma_wait3A_304 = tpu.memref_slice %arg2[%dma_wait3A_301, %dma_wait3A_302, %dma_wait3A_303] : memref<10000x8x3125xf32, #tpu.memory_space<any>> -> memref<625x8x3125xf32, #tpu.memory_space<any>>
    %dma_wait3A_305 = arith.constant 6875 : i32
    %dma_wait3A_306 = arith.constant 0 : i32
    %dma_wait3A_307 = arith.constant 0 : i32
    %dma_wait3A_308 = tpu.memref_slice %arg0[%dma_wait3A_305, %dma_wait3A_306, %dma_wait3A_307] : memref<10000x8x3125xf32, #tpu.memory_space<any>> -> memref<625x8x3125xf32, #tpu.memory_space<any>>
    tpu.wait_dma2 semaphore(%dma_wait3A_300 : memref<!tpu.dma_semaphore, #tpu.memory_space<semaphore_mem>>) src(%dma_wait3A_308 : memref<625x8x3125xf32, #tpu.memory_space<any>>) dst(%dma_wait3A_304 : memref<625x8x3125xf32, #tpu.memory_space<any>>)
    %dma_wait3A_309 = arith.constant 12 : i32
    %dma_wait3A_310 = tpu.memref_slice %arg4[%dma_wait3A_309] : memref<17x!tpu.dma_semaphore, #tpu.memory_space<semaphore_mem>> -> memref<1x!tpu.dma_semaphore, #tpu.memory_space<semaphore_mem>>
    %dma_wait3A_311 = tpu.memref_squeeze %dma_wait3A_310 : memref<1x!tpu.dma_semaphore, #tpu.memory_space<semaphore_mem>> -> memref<!tpu.dma_semaphore, #tpu.memory_space<semaphore_mem>>
    %dma_wait3A_312 = arith.constant 7500 : i32
    %dma_wait3A_313 = arith.constant 0 : i32
    %dma_wait3A_314 = arith.constant 0 : i32
    %dma_wait3A_315 = tpu.memref_slice %arg2[%dma_wait3A_312, %dma_wait3A_313, %dma_wait3A_314] : memref<10000x8x3125xf32, #tpu.memory_space<any>> -> memref<625x8x3125xf32, #tpu.memory_space<any>>
    %dma_wait3A_316 = arith.constant 7500 : i32
    %dma_wait3A_317 = arith.constant 0 : i32
    %dma_wait3A_318 = arith.constant 0 : i32
    %dma_wait3A_319 = tpu.memref_slice %arg0[%dma_wait3A_316, %dma_wait3A_317, %dma_wait3A_318] : memref<10000x8x3125xf32, #tpu.memory_space<any>> -> memref<625x8x3125xf32, #tpu.memory_space<any>>
    tpu.wait_dma2 semaphore(%dma_wait3A_311 : memref<!tpu.dma_semaphore, #tpu.memory_space<semaphore_mem>>) src(%dma_wait3A_319 : memref<625x8x3125xf32, #tpu.memory_space<any>>) dst(%dma_wait3A_315 : memref<625x8x3125xf32, #tpu.memory_space<any>>)
    %dma_wait3A_320 = arith.constant 13 : i32
    %dma_wait3A_321 = tpu.memref_slice %arg4[%dma_wait3A_320] : memref<17x!tpu.dma_semaphore, #tpu.memory_space<semaphore_mem>> -> memref<1x!tpu.dma_semaphore, #tpu.memory_space<semaphore_mem>>
    %dma_wait3A_322 = tpu.memref_squeeze %dma_wait3A_321 : memref<1x!tpu.dma_semaphore, #tpu.memory_space<semaphore_mem>> -> memref<!tpu.dma_semaphore, #tpu.memory_space<semaphore_mem>>
    %dma_wait3A_323 = arith.constant 8125 : i32
    %dma_wait3A_324 = arith.constant 0 : i32
    %dma_wait3A_325 = arith.constant 0 : i32
    %dma_wait3A_326 = tpu.memref_slice %arg2[%dma_wait3A_323, %dma_wait3A_324, %dma_wait3A_325] : memref<10000x8x3125xf32, #tpu.memory_space<any>> -> memref<625x8x3125xf32, #tpu.memory_space<any>>
    %dma_wait3A_327 = arith.constant 8125 : i32
    %dma_wait3A_328 = arith.constant 0 : i32
    %dma_wait3A_329 = arith.constant 0 : i32
    %dma_wait3A_330 = tpu.memref_slice %arg0[%dma_wait3A_327, %dma_wait3A_328, %dma_wait3A_329] : memref<10000x8x3125xf32, #tpu.memory_space<any>> -> memref<625x8x3125xf32, #tpu.memory_space<any>>
    tpu.wait_dma2 semaphore(%dma_wait3A_322 : memref<!tpu.dma_semaphore, #tpu.memory_space<semaphore_mem>>) src(%dma_wait3A_330 : memref<625x8x3125xf32, #tpu.memory_space<any>>) dst(%dma_wait3A_326 : memref<625x8x3125xf32, #tpu.memory_space<any>>)
    %dma_wait3A_331 = arith.constant 14 : i32
    %dma_wait3A_332 = tpu.memref_slice %arg4[%dma_wait3A_331] : memref<17x!tpu.dma_semaphore, #tpu.memory_space<semaphore_mem>> -> memref<1x!tpu.dma_semaphore, #tpu.memory_space<semaphore_mem>>
    %dma_wait3A_333 = tpu.memref_squeeze %dma_wait3A_332 : memref<1x!tpu.dma_semaphore, #tpu.memory_space<semaphore_mem>> -> memref<!tpu.dma_semaphore, #tpu.memory_space<semaphore_mem>>
    %dma_wait3A_334 = arith.constant 8750 : i32
    %dma_wait3A_335 = arith.constant 0 : i32
    %dma_wait3A_336 = arith.constant 0 : i32
    %dma_wait3A_337 = tpu.memref_slice %arg2[%dma_wait3A_334, %dma_wait3A_335, %dma_wait3A_336] : memref<10000x8x3125xf32, #tpu.memory_space<any>> -> memref<625x8x3125xf32, #tpu.memory_space<any>>
    %dma_wait3A_338 = arith.constant 8750 : i32
    %dma_wait3A_339 = arith.constant 0 : i32
    %dma_wait3A_340 = arith.constant 0 : i32
    %dma_wait3A_341 = tpu.memref_slice %arg0[%dma_wait3A_338, %dma_wait3A_339, %dma_wait3A_340] : memref<10000x8x3125xf32, #tpu.memory_space<any>> -> memref<625x8x3125xf32, #tpu.memory_space<any>>
    tpu.wait_dma2 semaphore(%dma_wait3A_333 : memref<!tpu.dma_semaphore, #tpu.memory_space<semaphore_mem>>) src(%dma_wait3A_341 : memref<625x8x3125xf32, #tpu.memory_space<any>>) dst(%dma_wait3A_337 : memref<625x8x3125xf32, #tpu.memory_space<any>>)
    %dma_wait3A_342 = arith.constant 15 : i32
    %dma_wait3A_343 = tpu.memref_slice %arg4[%dma_wait3A_342] : memref<17x!tpu.dma_semaphore, #tpu.memory_space<semaphore_mem>> -> memref<1x!tpu.dma_semaphore, #tpu.memory_space<semaphore_mem>>
    %dma_wait3A_344 = tpu.memref_squeeze %dma_wait3A_343 : memref<1x!tpu.dma_semaphore, #tpu.memory_space<semaphore_mem>> -> memref<!tpu.dma_semaphore, #tpu.memory_space<semaphore_mem>>
    %dma_wait3A_345 = arith.constant 9375 : i32
    %dma_wait3A_346 = arith.constant 0 : i32
    %dma_wait3A_347 = arith.constant 0 : i32
    %dma_wait3A_348 = tpu.memref_slice %arg2[%dma_wait3A_345, %dma_wait3A_346, %dma_wait3A_347] : memref<10000x8x3125xf32, #tpu.memory_space<any>> -> memref<625x8x3125xf32, #tpu.memory_space<any>>
    %dma_wait3A_349 = arith.constant 9375 : i32
    %dma_wait3A_350 = arith.constant 0 : i32
    %dma_wait3A_351 = arith.constant 0 : i32
    %dma_wait3A_352 = tpu.memref_slice %arg0[%dma_wait3A_349, %dma_wait3A_350, %dma_wait3A_351] : memref<10000x8x3125xf32, #tpu.memory_space<any>> -> memref<625x8x3125xf32, #tpu.memory_space<any>>
    tpu.wait_dma2 semaphore(%dma_wait3A_344 : memref<!tpu.dma_semaphore, #tpu.memory_space<semaphore_mem>>) src(%dma_wait3A_352 : memref<625x8x3125xf32, #tpu.memory_space<any>>) dst(%dma_wait3A_348 : memref<625x8x3125xf32, #tpu.memory_space<any>>)
    %dma_wait3A_353 = arith.constant 16 : i32
    %dma_wait3A_354 = tpu.memref_slice %arg4[%dma_wait3A_353] : memref<17x!tpu.dma_semaphore, #tpu.memory_space<semaphore_mem>> -> memref<1x!tpu.dma_semaphore, #tpu.memory_space<semaphore_mem>>
    %dma_wait3A_355 = tpu.memref_squeeze %dma_wait3A_354 : memref<1x!tpu.dma_semaphore, #tpu.memory_space<semaphore_mem>> -> memref<!tpu.dma_semaphore, #tpu.memory_space<semaphore_mem>>
    tpu.wait_dma2 semaphore(%dma_wait3A_355 : memref<!tpu.dma_semaphore, #tpu.memory_space<semaphore_mem>>) src(%arg1 : memref<10000x1x1xf32, #tpu.memory_space<any>>) dst(%arg3 : memref<10000x1x1xf32, #tpu.memory_space<any>>)
    return
  }
}

module attributes {stable_mosaic.version = 14 : i64} {
  func.func @_gs_body(%arg0: i32, %arg1: memref<128xi32, #tpu.memory_space<smem>>, %arg2: memref<128xf32, #tpu.memory_space<smem>>, %arg3: memref<1x8x3125xf32, #tpu.memory_space<vmem>>, %arg4: memref<1x8x3125xf32, #tpu.memory_space<vmem>>, %arg5: memref<1x1x1xf32, #tpu.memory_space<vmem>>, %arg6: memref<10000x8x3125xf32, #tpu.memory_space<any>>, %arg7: memref<10000x1x1xf32, #tpu.memory_space<any>>, %arg8: memref<1x8x3125xf32, #tpu.memory_space<vmem>>, %arg9: memref<1x8x3125xf32, #tpu.memory_space<vmem>>, %arg10: memref<1x1x1xf32, #tpu.memory_space<vmem>>, %arg11: memref<1x1x1xf32, #tpu.memory_space<vmem>>) attributes {dimension_semantics = [#tpu.dimension_semantics<arbitrary>], iteration_bounds = array<i64: 128>, scalar_prefetch = 2 : i64, scratch_operands = 0 : i64, tpu.core_type = #tpu.core_type<tc>, window_params = [{transform_indices = @transform_0, window_bounds = array<i64: 1, 8, 3125>}, {transform_indices = @transform_1, window_bounds = array<i64: 1, 8, 3125>}, {transform_indices = @transform_2, window_bounds = array<i64: 1, 1, 1>}, {}, {}, {transform_indices = @transform_5, window_bounds = array<i64: 1, 8, 3125>}, {transform_indices = @transform_6, window_bounds = array<i64: 1, 8, 3125>}, {transform_indices = @transform_7, window_bounds = array<i64: 1, 1, 1>}, {transform_indices = @transform_8, window_bounds = array<i64: 1, 1, 1>}]} {
    %get3A = arith.index_cast %arg0 : i32 to index
    %get3A_0 = memref.load %arg2[%get3A] : memref<128xf32, #tpu.memory_space<smem>>
    %lt3A = arith.constant 5.000000e-02 : f32
    %lt3A_1 = arith.cmpf olt, %get3A_0, %lt3A : f32
    %convert_element_type3A = arith.extui %lt3A_1 : i1 to i32
    %cond3A = arith.constant 0 : i32
    %cond3A_2 = arith.cmpi ne, %convert_element_type3A, %cond3A : i32
    scf.if %cond3A_2 {
      %get3A_7 = arith.constant 0 : index
      %get3A_8 = arith.constant 0 : index
      %get3A_9 = arith.constant 0 : index
      %get3A_10 = vector.load %arg4[%get3A_7, %get3A_8, %get3A_9] : memref<1x8x3125xf32, #tpu.memory_space<vmem>>, vector<1x8x3125xf32>
      %swap3A = arith.constant 0 : index
      %swap3A_11 = arith.constant 0 : index
      %swap3A_12 = arith.constant 0 : index
      %swap3A_13 = vector.load %arg8[%swap3A, %swap3A_11, %swap3A_12] : memref<1x8x3125xf32, #tpu.memory_space<vmem>>, vector<1x8x3125xf32>
      tpu.vector_store %arg8[%swap3A, %swap3A_11, %swap3A_12], %get3A_10 {strides = array<i32>} : memref<1x8x3125xf32, #tpu.memory_space<vmem>>, vector<1x8x3125xf32>,
      %get3A_14 = arith.constant 0 : index
      %get3A_15 = arith.constant 0 : index
      %get3A_16 = arith.constant 0 : index
      %get3A_17 = vector.load %arg4[%get3A_14, %get3A_15, %get3A_16] : memref<1x8x3125xf32, #tpu.memory_space<vmem>>, vector<1x8x3125xf32>
      %swap3A_18 = arith.constant 0 : index
      %swap3A_19 = arith.constant 0 : index
      %swap3A_20 = arith.constant 0 : index
      %swap3A_21 = vector.load %arg9[%swap3A_18, %swap3A_19, %swap3A_20] : memref<1x8x3125xf32, #tpu.memory_space<vmem>>, vector<1x8x3125xf32>
      tpu.vector_store %arg9[%swap3A_18, %swap3A_19, %swap3A_20], %get3A_17 {strides = array<i32>} : memref<1x8x3125xf32, #tpu.memory_space<vmem>>, vector<1x8x3125xf32>,
      %broadcast_in_dim3A = arith.constant 0.000000e+00 : f32
      %broadcast_in_dim3A_22 = vector.broadcast %broadcast_in_dim3A : f32 to vector<1x1x1xf32>
      %swap3A_23 = arith.constant 0 : index
      %swap3A_24 = arith.constant 0 : index
      %swap3A_25 = arith.constant 0 : index
      %swap3A_26 = vector.load %arg10[%swap3A_23, %swap3A_24, %swap3A_25] : memref<1x1x1xf32, #tpu.memory_space<vmem>>, vector<1x1x1xf32>
      tpu.vector_store %arg10[%swap3A_23, %swap3A_24, %swap3A_25], %broadcast_in_dim3A_22 {strides = array<i32>} : memref<1x1x1xf32, #tpu.memory_space<vmem>>, vector<1x1x1xf32>,
      %swap3A_27 = arith.constant 0 : index
      %swap3A_28 = arith.constant 0 : index
      %swap3A_29 = arith.constant 0 : index
      %swap3A_30 = vector.load %arg11[%swap3A_27, %swap3A_28, %swap3A_29] : memref<1x1x1xf32, #tpu.memory_space<vmem>>, vector<1x1x1xf32>
      tpu.vector_store %arg11[%swap3A_27, %swap3A_28, %swap3A_29], %broadcast_in_dim3A_22 {strides = array<i32>} : memref<1x1x1xf32, #tpu.memory_space<vmem>>, vector<1x1x1xf32>,
    } else {
    }
    %not3A = arith.constant true
    %not3A_3 = arith.xori %lt3A_1, %not3A : i1
    %convert_element_type3A_4 = arith.extui %not3A_3 : i1 to i32
    %cond3A_5 = arith.constant 0 : i32
    %cond3A_6 = arith.cmpi ne, %convert_element_type3A_4, %cond3A_5 : i32
    scf.if %cond3A_6 {
      %get3A_7 = arith.constant 0 : index
      %get3A_8 = arith.constant 0 : index
      %get3A_9 = arith.constant 0 : index
      %get3A_10 = vector.load %arg3[%get3A_7, %get3A_8, %get3A_9] : memref<1x8x3125xf32, #tpu.memory_space<vmem>>, vector<1x8x3125xf32>
      %swap3A = arith.constant 0 : index
      %swap3A_11 = arith.constant 0 : index
      %swap3A_12 = arith.constant 0 : index
      %swap3A_13 = vector.load %arg8[%swap3A, %swap3A_11, %swap3A_12] : memref<1x8x3125xf32, #tpu.memory_space<vmem>>, vector<1x8x3125xf32>
      tpu.vector_store %arg8[%swap3A, %swap3A_11, %swap3A_12], %get3A_10 {strides = array<i32>} : memref<1x8x3125xf32, #tpu.memory_space<vmem>>, vector<1x8x3125xf32>,
      %get3A_14 = arith.constant 0 : index
      %get3A_15 = arith.constant 0 : index
      %get3A_16 = arith.constant 0 : index
      %get3A_17 = vector.load %arg3[%get3A_14, %get3A_15, %get3A_16] : memref<1x8x3125xf32, #tpu.memory_space<vmem>>, vector<1x8x3125xf32>
      %swap3A_18 = arith.constant 0 : index
      %swap3A_19 = arith.constant 0 : index
      %swap3A_20 = arith.constant 0 : index
      %swap3A_21 = vector.load %arg9[%swap3A_18, %swap3A_19, %swap3A_20] : memref<1x8x3125xf32, #tpu.memory_space<vmem>>, vector<1x8x3125xf32>
      tpu.vector_store %arg9[%swap3A_18, %swap3A_19, %swap3A_20], %get3A_17 {strides = array<i32>} : memref<1x8x3125xf32, #tpu.memory_space<vmem>>, vector<1x8x3125xf32>,
      %get3A_22 = arith.constant 0 : index
      %get3A_23 = arith.constant 0 : index
      %get3A_24 = arith.constant 0 : index
      %get3A_25 = vector.load %arg5[%get3A_22, %get3A_23, %get3A_24] : memref<1x1x1xf32, #tpu.memory_space<vmem>>, vector<1x1x1xf32>
      %swap3A_26 = arith.constant 0 : index
      %swap3A_27 = arith.constant 0 : index
      %swap3A_28 = arith.constant 0 : index
      %swap3A_29 = vector.load %arg10[%swap3A_26, %swap3A_27, %swap3A_28] : memref<1x1x1xf32, #tpu.memory_space<vmem>>, vector<1x1x1xf32>
      tpu.vector_store %arg10[%swap3A_26, %swap3A_27, %swap3A_28], %get3A_25 {strides = array<i32>} : memref<1x1x1xf32, #tpu.memory_space<vmem>>, vector<1x1x1xf32>,
      %get3A_30 = arith.constant 0 : index
      %get3A_31 = arith.constant 0 : index
      %get3A_32 = arith.constant 0 : index
      %get3A_33 = vector.load %arg5[%get3A_30, %get3A_31, %get3A_32] : memref<1x1x1xf32, #tpu.memory_space<vmem>>, vector<1x1x1xf32>
      %swap3A_34 = arith.constant 0 : index
      %swap3A_35 = arith.constant 0 : index
      %swap3A_36 = arith.constant 0 : index
      %swap3A_37 = vector.load %arg11[%swap3A_34, %swap3A_35, %swap3A_36] : memref<1x1x1xf32, #tpu.memory_space<vmem>>, vector<1x1x1xf32>
      tpu.vector_store %arg11[%swap3A_34, %swap3A_35, %swap3A_36], %get3A_33 {strides = array<i32>} : memref<1x1x1xf32, #tpu.memory_space<vmem>>, vector<1x1x1xf32>,
    } else {
    }
    return
  }
  func.func @transform_0(%arg0: i32, %arg1: memref<128xi32, #tpu.memory_space<smem>>, %arg2: memref<128xf32, #tpu.memory_space<smem>>) -> (i32, i32, i32) {
    %get3A = arith.index_cast %arg0 : i32 to index
    %get3A_0 = memref.load %arg1[%get3A] : memref<128xi32, #tpu.memory_space<smem>>
    %c0_i32 = arith.constant 0 : i32
    %c0_i32_1 = arith.constant 0 : i32
    %c0_i32_2 = arith.constant 0 : i32
    return %get3A_0, %c0_i32, %c0_i32_1 : i32, i32, i32
  }
  func.func @transform_1(%arg0: i32, %arg1: memref<128xi32, #tpu.memory_space<smem>>, %arg2: memref<128xf32, #tpu.memory_space<smem>>) -> (i32, i32, i32) {
    %c0_i32 = arith.constant 0 : i32
    %c0_i32_0 = arith.constant 0 : i32
    %c0_i32_1 = arith.constant 0 : i32
    return %arg0, %c0_i32, %c0_i32_0 : i32, i32, i32
  }
  func.func @transform_2(%arg0: i32, %arg1: memref<128xi32, #tpu.memory_space<smem>>, %arg2: memref<128xf32, #tpu.memory_space<smem>>) -> (i32, i32, i32) {
    %get3A = arith.index_cast %arg0 : i32 to index
    %get3A_0 = memref.load %arg1[%get3A] : memref<128xi32, #tpu.memory_space<smem>>
    %c0_i32 = arith.constant 0 : i32
    %c0_i32_1 = arith.constant 0 : i32
    %c0_i32_2 = arith.constant 0 : i32
    return %get3A_0, %c0_i32, %c0_i32_1 : i32, i32, i32
  }
  func.func @transform_5(%arg0: i32, %arg1: memref<128xi32, #tpu.memory_space<smem>>, %arg2: memref<128xf32, #tpu.memory_space<smem>>) -> (i32, i32, i32) {
    %c0_i32 = arith.constant 0 : i32
    %c0_i32_0 = arith.constant 0 : i32
    %c0_i32_1 = arith.constant 0 : i32
    return %arg0, %c0_i32, %c0_i32_0 : i32, i32, i32
  }
  func.func @transform_6(%arg0: i32, %arg1: memref<128xi32, #tpu.memory_space<smem>>, %arg2: memref<128xf32, #tpu.memory_space<smem>>) -> (i32, i32, i32) {
    %get3A = arith.index_cast %arg0 : i32 to index
    %get3A_0 = memref.load %arg1[%get3A] : memref<128xi32, #tpu.memory_space<smem>>
    %c0_i32 = arith.constant 0 : i32
    %c0_i32_1 = arith.constant 0 : i32
    %c0_i32_2 = arith.constant 0 : i32
    return %get3A_0, %c0_i32, %c0_i32_1 : i32, i32, i32
  }
  func.func @transform_7(%arg0: i32, %arg1: memref<128xi32, #tpu.memory_space<smem>>, %arg2: memref<128xf32, #tpu.memory_space<smem>>) -> (i32, i32, i32) {
    %c0_i32 = arith.constant 0 : i32
    %c0_i32_0 = arith.constant 0 : i32
    %c0_i32_1 = arith.constant 0 : i32
    return %arg0, %c0_i32, %c0_i32_0 : i32, i32, i32
  }
  func.func @transform_8(%arg0: i32, %arg1: memref<128xi32, #tpu.memory_space<smem>>, %arg2: memref<128xf32, #tpu.memory_space<smem>>) -> (i32, i32, i32) {
    %get3A = arith.index_cast %arg0 : i32 to index
    %get3A_0 = memref.load %arg1[%get3A] : memref<128xi32, #tpu.memory_space<smem>>
    %c0_i32 = arith.constant 0 : i32
    %c0_i32_1 = arith.constant 0 : i32
    %c0_i32_2 = arith.constant 0 : i32
    return %get3A_0, %c0_i32, %c0_i32_1 : i32, i32, i32
  }
}

</mosaic_0001>

<sc_bundles>
// kernel: sparse-core-data-format-call.1.cloned.1.call-start
scs
called_computation.1_lowered:
.L_overlay_start_0:
0x0: {  	s2 =	sld [smem:$0x3FD9]  }
0x1: {  	s3 =	sld [smem:$0x3FFE];
	_ =	sdelay $0x1  }
0x2: {  	s1 =	srdreg.scid  }
0x3: {  	s0 =	sand.u32 $0x1, s1  }
0x4: {  	s18 =	sshll.u32 s0, $0xA;
	s2 =	sadd.s32 s3, s2  }
0x5: {  	s2 =	sadd.s32 s2, s18  }
0x6: {  	[smem:$0x3FC3] =	sst s2  }
0x7: {  	_ = 	snop  }
0x8: {  	s2 =	sld [smem:$0x3FC9];
	(tm) =	ssettm $0x1  }
0x9: {  	s19 =	sld [smem:$0x3FFB];
	_ =	sdelay $0x3  }
0xa: {  	_ =	strace s19  }
0xb: {  	s3 =	sld [smem:$0x3FFC];
	_ =	sdelay $0x3  }
0xc: {  	_ =	strace s3  }
0xd: {  	s3 =	sld [smem:$0x3FFD];
	_ =	sdelay $0x3  }
0xe: {  	_ =	strace s3  }
0xf: {  	_ =	strace $0x8FFFFFFF  }
0x10: {  	s20 =	sld [smem:$0x3FDB];
	_ =	sdelay $0x1  }
0x11: {  	s4 =	simm.s32 $_scs_section_size  }
0x12: {  	s5 =	simm.s32 $_size__tile_overlayer_lowered;
	s6 =	simm.s32 $_tile_overlayer_lowered  }
0x13: {  	s23 =	simm.s32 $0x1BFF;
	s22 =	sshll.u32 s6, $0x1;
	s3 =	sadd.s32 s4, s20  }
0x14: {  	s7 =	simm.s32 $0x0;
	s21 =	sshll.u32 s5, $0x1;
	s5 =	sadd.s32 s22, s3  }
0x15: {  	[timem:s7], [sflag:s23] =	dma.local [hbm:s5], s21  }
0x16: {  	_ =	swait.ge [sflag:s23], s21  }
0x17: {  	s4 =	ssub.s32 $0x0, s21;
	[sflag:s23] =	ssyncset.done $0x0  }
0x18: {  	[sflag:s23] =	ssyncadd.s32 s4;
	_ =	sdelay $0x1  }
0x19: {  	s24 =	simm.s32 $0x1B8B  }
0x1a: {  	_ =	swait.ge [sflag:s24], $0x1  }
0x1b: {  	[sflag:s24] =	ssyncset.done $0x0  }
0x1c: {  	s26 =	simm.s32 $0x1B8E;
	s25 =	sld [smem:$0x3FFE];
	[sflag:s24] =	ssyncadd.s32 $0xFFFFFFFF  }
0x1d: {  	s27 =	simm.s32 $execute0_lowered;
	[smem:$0x3FD2] =	sst s26  }
0x1e: {  	s5 =	sshll.u32 s27, $0x1;
	_ =	strace $0x80000046;
	[dreg:$0x1] =	wrdreg $0xFFFFFFFF  }
0x1f: {  	s28 =	simm.s32 $_size_execute0_lowered;
	s3 =	sadd.s32 s3, s5;
	[dreg:$0x0] =	wrdreg $0x0  }
0x20: {  	s5 =	sshll.u32 s28, $0x1;
	[dreg:$0x2] =	wrdreg s3  }
0x21: {  	[dreg:$0x3] =	wrdreg s5  }
0x22: {  	[dreg:$0x4] =	wrdreg $0xC0  }
0x23: {  	_ =	task [dreg:s7], $0x5FFFF  }
0x24: {  	[dreg:$0x1] =	wrdreg $0xFFFFFFFF  }
0x25: {  	[dreg:$0x0] =	wrdreg $0x60  }
0x26: {  	[dreg:$0x2] =	wrdreg s2  }
0x27: {  	[dreg:$0x3] =	wrdreg s25  }
0x28: {  	[dreg:$0x4] =	wrdreg $0x9  }
0x29: {  	_ =	task.clear_ibuf [dreg:s7], $0x5FFFF;
	_ =	strace $0x90000046  }
0x2a: {  	s29 =	simm.s32 $0x9;
	_ =	strace $0x80000048  }
0x2b: {  	_ =	swait.ge [sflag:s29], $0x1  }
0x2c: {  	[sflag:s29] =	ssyncadd.s32 $0xFFFFFFFF  }
0x2d: {  	_ =	strace $0x90000048  }
0x2e: {  	_ =	sfence  }
0x2f: {  	s30 =	sld [smem:$0x0];
	_ =	sdelay $0x2  }
0x30: {  	s31 =	sshll.u32 s1, $0xD;
	s1 =	sshrl.u32 s1, $0x2  }
0x31: {  	s3 =	sand.u32 $0x4000, s31;
	s1 =	sadd.s32 s1, s30  }
0x32: {  	s0 =	sor.u32 s3, s0;
	s1 =	sshll.u32 s1, $0x11  }
0x33: {  	s0 =	sor.u32 s1, s0  }
0x34: {  	s0 =	sadd.s32 $0x8F2B, s0  }
0x35: {  	[sflag:s0] =	ssyncadd.remote.s32 $0x1  }
0x36: {  	_ =	sfence.sel $0xFFFF  }
0x37: {  	[dreg:$0x0] =	wrdreg $0xFFFFFFFF;
	(pc) =	sbr.abs _section_cstart, $3  }
0x38: {  	[dreg:$0x1] =	wrdreg $0xFFFFFFFF  }
0x39: {  	_ =	task.clear_ibuf [dreg:s7], $0x2FFFF;
	_ =	strace $0x9FFFFFFF  }
0x3a: {  	(tm) =	ssettm $0x7FFFFFFF  }
0x3b: {  	_ =	shalt  }
tec
execute0_lowered:
.L_overlay_start_1:
0x0: {  	(tag) =	ssettag $0x1  }
0x1: {  	s2 =	rddreg [dreg:$0x0]  }
0x2: {  	s1 =	rddreg [dreg:$0x1]  }
0x3: {  	s0 =	rddreg [dreg:$0x2];
	_ =	strace $0x80000047  }
0x4: {  	s4 =	srdreg.scid;
	s6 =	simm.s32 $0x2;
	s12 =	simm.s32 $0x0  }
.Ltmp0:
0x5: {  	p0 =	por $0x0, $0x0;
	s11 =	simm.s32 $0x0;
	(pc) =	sbr.rel .LBB1_1-.Ltmp0, $4  }
0x6: {  	s10 =	simm.s32 $0x0;
	s8 =	stileid.u32;
	s9 =	simm.s32 $0x0  }
0x7: {  	s7 =	simm.s32 $0x0;
	s5 =	sshll.u32 s4, $0x7;
	s4 =	simm.s32 $0x1  }
0x8: {  	s3 =	sadd.s32 $0x1600, s1;
	s5 =	sand.u32 $0x80, s5;
	[sflag:s4] =	ssyncpa.u1 $0x0  }
0x9: {  	s1 =	stileid.u32;
	[sflag:s6] =	ssyncpa.u1 $0x0;
	s6 =	sshll.u32 s5, $0x3  }
.LBB1_5:
0xa: {  	s13 =	sadd.s32 $0x10, s8  }
0xb: {  	s10 =	sadd.s32 $0x80, s9;
	s14 =	smov.u32 s9;
	p2 =	sgt.s32 s13, $0x270F  }
0xc: {  	p1 =	slt.u32 s7, $0x2;
	s14 =	smov.u32 @p2 s10  }
0xd: {  	s7 =	sadd.s32 $0x1, s7;
	s13 =	smov.u32 @p2 s1;
	p2 =	sgt.s32 s14, $0x63  }
0xe: {  	s14 =	simm.s32 @p2 $0x0;
	p2 =	sne.s32 s7, $0x273  }
.Ltmp1:
0xf: {  	_ = 	snop;
	(pc) =	sbr.rel @!p2 .LBB1_6-.Ltmp1, $4  }
0x10: {  	s12 =	simm.s32 @!p1 $0x2  }
0x11: {  	s11 =	smov.u32 s8;
	p0 =	por !p0, !p0;
	_ =	swait.ge @!p1 [sflag:s12], $0x4000  }
0x12: {  	s10 =	smov.u32 s9;
	[sflag:s12] =	ssyncset.done @!p1 $0x0;
	s8 =	smov.u32 s13  }
0x13: {  	[sflag:s12] =	ssyncadd.s32 @!p1 $0xFFFFC000;
	s12 =	smov.u32 s5;
	s9 =	smov.u32 s14  }
.LBB1_1:
0x14: {  	p1 =	sgt.u32 s7, $0x270  }
0x15: {  	s16 =	smov.u32 s9;
	s13 =	sshll.u32 @!p1 s8, $0x8;
	s14 =	sshll.u32 @!p1 s8, $0x7  }
0x16: {  	p2 =	sgt.s32 @!p1 s8, $0x270F;
	s15 =	sshra.s32 @!p1 s8, $0x1F;
	p3 =	sgt.s32 @!p1 s9, $0xFFFFFFE4  }
0x17: {  	s17 =	sshra.s32 @!p1 s9, $0x1F;
	s13 =	sand.u32 @!p1 $0xFFFFF800, s13;
	s14 =	sand.u32 @!p1 $0x300, s14  }
0x18: {  	p2 =	por !p2, p1;
	s15 =	sand.u32 @!p1 s15, s8;
	s13 =	sor.u32 @!p1 s6, s13  }
0x19: {  	s17 =	sand.u32 @!p1 s17, s9;
	s13 =	sor.u32 @!p1 s14, s13;
	s14 =	smov.u32 s8  }
0x1a: {  	s13 =	sshrl.u32 @!p1 s13, $0x8;
	s14 =	simm.s32 @p2 $0x270F;
	p2 =	por !p3, p1  }
0x1b: {  	s14 =	ssub.s32 @!p1 s14, s15;
	s15 =	smulhi.u32 @!p1 $0x1A36E3, s13;
	s16 =	simm.s32 @p2 $0xFFFFFFE4  }
0x1c: {  	s16 =	ssub.s32 @!p1 s16, s17;
	s17 =	sadd.s32 @!p1 $0xFFFFD8F1, s14  }
0x1d: {  	s14 =	ssub.s32 @!p1 $0x2710, s14;
	s15 =	sshrl.u32 @!p1 s15, $0x2;
	s16 =	sadd.s32 @!p1 $0x1C, s16  }
0x1e: {  	p2 =	sgt.s32 @!p1 s17, $0x0;
	s17 =	sxor.u32 @!p1 $0xFFFFFFFF, s7;
	s15 =	smul.u32 @!p1 $0x2710, s15  }
0x1f: {  	p3 =	sgt.s32 @!p1 s16, $0x7F;
	p2 =	por !p2, p1;
	s16 =	sshll.u32 @!p1 s16, $0x7  }
0x20: {  	s14 =	simm.s32 @!p2 $0x0;
	s16 =	ssub.s32 @!p1 $0x4000, s16;
	p2 =	por !p3, p1  }
0x21: {  	s13 =	ssub.s32 @!p1 s13, s15;
	s16 =	simm.s32 @!p2 $0x0;
	s15 =	smul.u32 @!p1 $0x4E200, s9  }
0x22: {  	s17 =	sshll.u32 @!p1 s17, $0xE;
	s14 =	smul.u32 @!p1 s14, s16;
	s16 =	sshll.u32 @!p1 s8, $0x4  }
0x23: {  	s17 =	sand.u32 @!p1 $0x4000, s17;
	s16 =	sand.u32 @!p1 $0x10, s16;
	s15 =	sadd.s32 @!p1 s2, s15  }
0x24: {  	s13 =	sshll.u32 @!p1 s13, $0x5;
	s14 =	sand.u32 @!p1 $0x3FFFFF80, s14;
	s15 =	sadd.s32 @!p1 s16, s15  }
0x25: {  	s16 =	simm.s32 @!p1 $0x271000;
	s13 =	sadd.s32 @!p1 s13, s15;
	s15 =	simm.s32 @!p1 $0x80  }
0x26: {  	[tilespmem:s17], [sflag:$0x1] =	stream.strided.gather @!p1 [hbm4b:s13+s15], s14, s16, s15, $0x38;
	[tilespmem:$0x10100] =	vst v63  }
0x27: {  	p1 =	seq.s32 s7, $0x0  }
0x28: {  	p2 =	seq.s32 @!p1 s7, $0x272  }
0x29: {  	p1 =	por p1, p2  }
.Ltmp2:
0x2a: {  	_ = 	snop;
	(pc) =	sbr.rel @p1 .LBB1_5-.Ltmp2, $1  }
0x2b: {  	_ =	sdelay $0x3  }
0x2c: {  	p1 =	sgt.s32 s10, $0xFFFFFFE4;
	s13 =	smov.u32 s10  }
0x2d: {  	s14 =	sshra.s32 s10, $0x1F;
	s15 =	smov.u32 s11;
	s16 =	sshra.s32 s11, $0x1F  }
0x2e: {  	s13 =	simm.s32 @!p1 $0xFFFFFFE4;
	s14 =	sand.u32 s14, s10;
	p1 =	sgt.s32 s11, $0x270F  }
0x2f: {  	s27 =	sand.u32 s16, s11;
	s13 =	ssub.s32 s13, s14;
	s15 =	simm.s32 @!p1 $0x270F  }
0x30: {  	s13 =	sadd.s32 $0x1C, s13;
	s14 =	ssub.s32 s15, s27  }
0x31: {  	p1 =	sgt.s32 s13, $0x7F;
	s15 =	sadd.s32 $0xFFFFD8F1, s14;
	s13 =	sshll.u32 s13, $0x7  }
0x32: {  	s14 =	ssub.s32 $0x2710, s14;
	p2 =	sgt.s32 s15, $0x0;
	s13 =	ssub.s32 $0x4000, s13  }
0x33: {  	s14 =	simm.s32 @p2 $0x0;
	s13 =	simm.s32 @p1 $0x0  }
0x34: {  	s13 =	smul.u32 s14, s13;
	_ =	sdelay $0x1  }
0x35: {  	s14 =	simm.s32 $0x1;
	s13 =	sand.u32 $0x3FFFFF80, s13  }
0x36: {  	s14 =	simm.s32 @!p0 $0x0;
	_ =	swait.ge [sflag:s4], s13  }
0x37: {  	s28 =	sshll.u32 s14, $0xE;
	s13 =	ssub.s32 $0x0, s13;
	[sflag:s4] =	ssyncset.done $0x0  }
0x38: {  	s29 =	sor.u32 $0x40, s28;
	[sflag:s4] =	ssyncadd.s32 s13  }
0x39: {  	s30 =	smul.u32 $0x10200, s14;
	v0 =	vld [tilespmem:s29+$0x30]  }
0x3a: {  	v3 =	vld [tilespmem:s29+$0xFFFFFFD0]  }
0x3b: {  	s13 =	sshrl.u32 s30, $0x2;
	v4 =	vld [tilespmem:s29+$0xFFFFFFE0]  }
0x3c: {  	s14 =	sor.u32 $0x8000, s13;
	v5 =	vld [tilespmem:s29+$0xFFFFFFF0]  }
0x3d: {  	s31 =	sand.u32 $0x1, s7;
	v1 =	vld [tilespmem:s29+$0x0];
	s15 =	sadd.s32 $0x0, s14  }
0x3e: {  	s13 =	smul.u32 $0x10200, s31;
	v2 =	vld [tilespmem:s29+$0x10];
	[tilespmem:s15+$0x3870 ss:$0x81] =	vst.msk $0xffff, v0  }
0x3f: {  	[tilespmem:s15+$0x810 ss:$0x81] =	vst.msk $0xffff, v3;
	v3 =	vld [tilespmem:s29+$0x20]  }
0x40: {  	s16 =	sadd.s32 $0x80, s29;
	s13 =	sshrl.u32 s13, $0x2;
	v0 =	vld [tilespmem:s29+$0xFFFFFFC0];
	[tilespmem:s15+$0x1020 ss:$0x81] =	vst.msk $0xffff, v4  }
0x41: {  	s17 =	simm.s32 $0x4;
	s18 =	simm.s32 $0x8;
	s13 =	sor.u32 $0x8000, s13;
	v4 =	vld [tilespmem:s16+$0x30];
	[tilespmem:s15+$0x1830 ss:$0x81] =	vst.msk $0xffff, v5  }
.LBB1_3:
0x42: {  	p1 =	sne.s32 s18, $0x1FC;
	v5 =	vld [tilespmem:s16+$0xFFFFFFD0];
	[tilespmem:s15+$0x2040 ss:$0x81] =	vst.msk $0xffff, v1  }
0x43: {  	v6 =	vld [tilespmem:s16+$0xFFFFFFE0];
	[tilespmem:s15+$0x2850 ss:$0x81] =	vst.msk $0xffff, v2  }
0x44: {  	s19 =	sshra.s32 s17, $0x2;
	s17 =	smov.u32 s18;
	v7 =	vld [tilespmem:s16+$0xFFFFFFF0];
	[tilespmem:s15+$0x3060 ss:$0x81] =	vst.msk $0xffff, v3  }
.Ltmp3:
0x45: {  	v1 =	vld [tilespmem:s16+$0x0];
	[tilespmem:s15+$0x0 ss:$0x81] =	vst.msk $0xffff, v0;
	s15 =	sadd.s32 s19, s14;
	(pc) =	sbr.rel @p1 .LBB1_3-.Ltmp3, $4  }
0x46: {  	v2 =	vld [tilespmem:s16+$0x10];
	[tilespmem:s15+$0x3870 ss:$0x81] =	vst.msk $0xffff, v4  }
0x47: {  	[tilespmem:s15+$0x810 ss:$0x81] =	vst.msk $0xffff, v5;
	v3 =	vld [tilespmem:s16+$0x20]  }
0x48: {  	v0 =	vld [tilespmem:s16+$0xFFFFFFC0];
	[tilespmem:s15+$0x1020 ss:$0x81] =	vst.msk $0xffff, v6;
	s16 =	sadd.s32 $0x80, s16  }
0x49: {  	s18 =	sadd.s32 $0x4, s18;
	v4 =	vld [tilespmem:s16+$0x30];
	[tilespmem:s15+$0x1830 ss:$0x81] =	vst.msk $0xffff, v7  }
0x4a: {  	v5 =	vld [tilespmem:s16+$0xFFFFFFD0];
	[tilespmem:s15+$0x2040 ss:$0x81] =	vst.msk $0xffff, v1  }
0x4b: {  	v58 =	vld [tilespmem:s16+$0xFFFFFFE0];
	[tilespmem:s15+$0x2850 ss:$0x81] =	vst.msk $0xffff, v2  }
0x4c: {  	s17 =	sshra.s32 s17, $0x2;
	v59 =	vld [tilespmem:s16+$0xFFFFFFF0];
	[tilespmem:s15+$0x3060 ss:$0x81] =	vst.msk $0xffff, v3  }
0x4d: {  	v60 =	vld [tilespmem:s16+$0x0];
	s14 =	sadd.s32 s17, s14;
	[tilespmem:s15+$0x0 ss:$0x81] =	vst.msk $0xffff, v0  }
0x4e: {  	v61 =	vld [tilespmem:s16+$0x10];
	[tilespmem:s14+$0x3870 ss:$0x81] =	vst.msk $0xffff, v4  }
0x4f: {  	v62 =	vld [tilespmem:s16+$0x20];
	[tilespmem:s14+$0x810 ss:$0x81] =	vst.msk $0xffff, v5  }
0x50: {  	v63 =	vld [tilespmem:s16+$0xFFFFFFC0];
	[tilespmem:s14+$0x1020 ss:$0x81] =	vst.msk $0xffff, v58  }
0x51: {  	s12 =	sshll.u32 s12, $0x4;
	s28 =	sand.u32 $0xF80, s10;
	[tilespmem:s14+$0x1830 ss:$0x81] =	vst.msk $0xffff, v59  }
.Ltmp4:
0x52: {  	s11 =	sshll.u32 s11, $0xC;
	s29 =	sshrl.u32 s10, $0x3;
	[tilespmem:s14+$0x2040 ss:$0x81] =	vst.msk $0xffff, v60;
	(pc) =	sbr.rel .LBB1_5-.Ltmp4, $4  }
0x53: {  	s12 =	sadd.s32 s28, s12;
	s30 =	sand.u32 $0xF, s29;
	s11 =	sadd.s32 s3, s11;
	[tilespmem:s14+$0x2850 ss:$0x81] =	vst.msk $0xffff, v61  }
0x54: {  	s12 =	sand.u32 $0xF80, s12;
	s11 =	sadd.s32 s30, s11;
	[tilespmem:s14+$0x3060 ss:$0x81] =	vst.msk $0xffff, v62  }
0x55: {  	s31 =	sand.u32 $0x7, s10;
	s11 =	sadd.s32 s12, s11;
	[tilespmem:s14+$0x0 ss:$0x81] =	vst.msk $0xffff, v63  }
0x56: {  	[hbm4b:s11+s31] =	stream.linear.scatter [tilespmem:s13], [sflag:$0x2], $0x4000, $0x20;
	[tilespmem:$0x10100] =	vst v63  }
.LBB1_6:
0x57: {  	_ =	sfence.sel $0x180000  }
0x58: {  	s2 =	simm.s32 $0x1;
	[bflag:$0x0] =	sbarrier.arrive $0xFFFF  }
0x59: {  	s31 =	simm.s32 $0x2;
	[sflag:s2] =	ssyncpa.u1 $0x1  }
0x5a: {  	[sflag:s31] =	ssyncpa.u1 $0x1  }
0x5b: {  	p0 =	sne.s32 s1, $0x0;
	_ =	strace $0x90000047  }
0x5c: {  	s0 =	sadd.s32 @!p0 $0x100000, s0;
	[bflag:$0x2] =	sbarrier.arrive $0xFFFF  }
0x5d: {  	[sflag:s0] =	ssyncadd.tile.s32 @!p0 $0x1;
	_ =	shalt  }
.Lfunc_end1:
_tile_overlayer_lowered:
.L_overlay_start_2:
0x5e: {  	(tag) =	ssettag $0x2  }
0x5f: {  	s0 =	rddreg [dreg:$0x0];
	s2 =	stileid.u32  }
0x60: {  	s1 =	rddreg [dreg:$0x1];
	p0 =	sne.s32 s2, $0x0  }
0x61: {  	s3 =	rddreg [dreg:$0x2];
	[bflag:$0x3] =	sbarrier.arrive $0xFFFF;
	s2 =	simm.s32 @!p0 $0x1C01  }
0x62: {  	[timem:s3], [sflag:s2] =	dma.local @!p0 [hbm:s0], s1  }
0x63: {  	s0 =	simm.s32 @!p0 $0x1  }
0x64: {  	_ =	swait.ge @!p0 [sflag:s0], s1  }
0x65: {  	s1 =	ssub.s32 @!p0 $0x0, s1;
	[sflag:s0] =	ssyncset.done @!p0 $0x0  }
0x66: {  	[sflag:s0] =	ssyncadd.s32 @!p0 s1  }
0x67: {  	[bflag:$0x3] =	sbarrier.arrive $0xFFFF  }
0x68: {  	_ =	shalt  }

// kernel: sparse-core-data-format-call.cloned.1.call-start
scs
called_computation_lowered:
.L_overlay_start_0:
0x0: {  	s2 =	sld [smem:$0x3FD9]  }
0x1: {  	s3 =	sld [smem:$0x3FFE];
	_ =	sdelay $0x1  }
0x2: {  	s1 =	srdreg.scid  }
0x3: {  	s0 =	sand.u32 $0x1, s1  }
0x4: {  	s15 =	sshll.u32 s0, $0xA;
	s2 =	sadd.s32 s3, s2  }
0x5: {  	s2 =	sadd.s32 s2, s15  }
0x6: {  	[smem:$0x3FC3] =	sst s2  }
0x7: {  	_ = 	snop  }
0x8: {  	s2 =	sld [smem:$0x3FD0];
	_ =	sdelay $0x2  }
0x9: {  	s16 =	simm.s32 $0xA;
	s4 =	simm.s32 $0x10  }
0xa: {  	[smem:s4], [sflag:s16] =	dma.local [hbm:s2], $0x1  }
0xb: {  	_ =	swait.eq [sflag:s16], $0x1  }
0xc: {  	[sflag:s16] =	ssyncset.done $0x0  }
0xd: {  	[sflag:s16] =	ssyncadd.s32 $0xFFFFFFFF  }
0xe: {  	s17 =	sld [smem:$0x12];
	(tm) =	ssettm $0x1  }
0xf: {  	s18 =	sld [smem:$0x3FFB];
	_ =	sdelay $0x3  }
0x10: {  	_ =	strace s18  }
0x11: {  	s3 =	sld [smem:$0x3FFC];
	_ =	sdelay $0x3  }
0x12: {  	_ =	strace s3  }
0x13: {  	s3 =	sld [smem:$0x3FFD];
	_ =	sdelay $0x3  }
0x14: {  	_ =	strace s3  }
0x15: {  	_ =	strace $0x8FFFFFFF  }
0x16: {  	s19 =	sld [smem:$0x3FDB];
	_ =	sdelay $0x1  }
0x17: {  	s20 =	simm.s32 $_scs_section_size  }
0x18: {  	s5 =	simm.s32 $_size__tile_overlayer_lowered;
	s6 =	simm.s32 $_tile_overlayer_lowered  }
0x19: {  	s23 =	simm.s32 $0x1BFF;
	s22 =	sshll.u32 s6, $0x1;
	s3 =	sadd.s32 s20, s19  }
0x1a: {  	s7 =	simm.s32 $0x0;
	s21 =	sshll.u32 s5, $0x1;
	s5 =	sadd.s32 s22, s3  }
0x1b: {  	[timem:s7], [sflag:s23] =	dma.local [hbm:s5], s21  }
0x1c: {  	_ =	swait.ge [sflag:s23], s21  }
0x1d: {  	s4 =	ssub.s32 $0x0, s21;
	[sflag:s23] =	ssyncset.done $0x0  }
0x1e: {  	[sflag:s23] =	ssyncadd.s32 s4;
	_ =	sdelay $0x1  }
0x1f: {  	s24 =	simm.s32 $0x1B8B  }
0x20: {  	_ =	swait.ge [sflag:s24], $0x1  }
0x21: {  	[sflag:s24] =	ssyncset.done $0x0  }
0x22: {  	s26 =	simm.s32 $0x1B8E;
	s25 =	sld [smem:$0x3FFE];
	[sflag:s24] =	ssyncadd.s32 $0xFFFFFFFF  }
0x23: {  	s27 =	simm.s32 $execute0_lowered;
	[smem:$0x3FD2] =	sst s26  }
0x24: {  	s5 =	sshll.u32 s27, $0x1;
	_ =	strace $0x80000049;
	[dreg:$0x1] =	wrdreg $0xFFFFFFFF  }
0x25: {  	s28 =	simm.s32 $_size_execute0_lowered;
	s3 =	sadd.s32 s3, s5;
	[dreg:$0x0] =	wrdreg $0x0  }
0x26: {  	s5 =	sshll.u32 s28, $0x1;
	[dreg:$0x2] =	wrdreg s3  }
0x27: {  	[dreg:$0x3] =	wrdreg s5  }
0x28: {  	[dreg:$0x4] =	wrdreg $0xC0  }
0x29: {  	_ =	task [dreg:s7], $0x5FFFF  }
0x2a: {  	[dreg:$0x1] =	wrdreg $0xFFFFFFFF  }
0x2b: {  	[dreg:$0x0] =	wrdreg $0x60  }
0x2c: {  	[dreg:$0x2] =	wrdreg s25  }
0x2d: {  	[dreg:$0x3] =	wrdreg s17  }
0x2e: {  	[dreg:$0x4] =	wrdreg $0x9  }
0x2f: {  	_ =	task.clear_ibuf [dreg:s7], $0x5FFFF;
	_ =	strace $0x90000049  }
0x30: {  	s29 =	simm.s32 $0x9;
	_ =	strace $0x8000004B  }
0x31: {  	_ =	swait.ge [sflag:s29], $0x1  }
0x32: {  	[sflag:s29] =	ssyncadd.s32 $0xFFFFFFFF  }
0x33: {  	_ =	strace $0x9000004B  }
0x34: {  	_ =	sfence  }
0x35: {  	s30 =	sld [smem:$0x0];
	_ =	sdelay $0x2  }
0x36: {  	s31 =	sshll.u32 s1, $0xD;
	s1 =	sshrl.u32 s1, $0x2  }
0x37: {  	s3 =	sand.u32 $0x4000, s31;
	s1 =	sadd.s32 s1, s30  }
0x38: {  	s0 =	sor.u32 s3, s0;
	s1 =	sshll.u32 s1, $0x11  }
0x39: {  	s0 =	sor.u32 s1, s0  }
0x3a: {  	s0 =	sadd.s32 $0x8F2B, s0  }
0x3b: {  	[sflag:s0] =	ssyncadd.remote.s32 $0x1  }
0x3c: {  	_ =	sfence.sel $0xFFFF  }
0x3d: {  	[dreg:$0x0] =	wrdreg $0xFFFFFFFF;
	(pc) =	sbr.abs _section_cstart, $3  }
0x3e: {  	[dreg:$0x1] =	wrdreg $0xFFFFFFFF  }
0x3f: {  	_ =	task.clear_ibuf [dreg:s7], $0x2FFFF;
	_ =	strace $0x9FFFFFFF  }
0x40: {  	(tm) =	ssettm $0x7FFFFFFF  }
0x41: {  	_ =	shalt  }
tec
execute0_lowered:
.L_overlay_start_1:
0x0: {  	(tag) =	ssettag $0x1  }
0x1: {  	s2 =	rddreg [dreg:$0x0]  }
0x2: {  	s1 =	rddreg [dreg:$0x1];
	s3 =	srdreg.scid  }
0x3: {  	s0 =	rddreg [dreg:$0x2];
	_ =	strace $0x8000004A;
	s4 =	simm.s32 $0x1  }
0x4: {  	s6 =	simm.s32 $0x2;
	s11 =	simm.s32 $0x0;
	p0 =	por $0x0, $0x0  }
.Ltmp0:
0x5: {  	s7 =	simm.s32 $0x271000;
	s3 =	sshll.u32 s3, $0x7;
	(pc) =	sbr.rel .LBB1_1-.Ltmp0, $4  }
0x6: {  	s12 =	simm.s32 $0x0;
	s9 =	simm.s32 $0x0;
	s3 =	sand.u32 $0x80, s3  }
0x7: {  	s10 =	stileid.u32;
	[sflag:s4] =	ssyncpa.u1 $0x0;
	s5 =	sshll.u32 s3, $0x4  }
0x8: {  	s8 =	simm.s32 $0x0;
	[sflag:s6] =	ssyncpa.u1 $0x0;
	s5 =	sadd.s32 s5, s2  }
0x9: {  	s6 =	simm.s32 $0x80;
	s2 =	stileid.u32;
	s5 =	sadd.s32 $0x1EEA600, s5  }
.LBB1_5:
0xa: {  	p1 =	slt.u32 s8, $0x2  }
0xb: {  	p2 =	sgt.s32 @!p1 s11, $0x270F  }
0xc: {  	s12 =	smov.u32 s11;
	s13 =	sshra.s32 @!p1 s11, $0x1F;
	p2 =	por !p2, p1  }
0xd: {  	s11 =	sand.u32 @!p1 s13, s11;
	s12 =	simm.s32 @p2 $0x270F  }
0xe: {  	s11 =	ssub.s32 @!p1 s12, s11  }
0xf: {  	s12 =	ssub.s32 @!p1 $0x2710, s11  }
0x10: {  	s11 =	sadd.s32 @!p1 $0xFFFFD8F1, s11;
	s12 =	smul.u32 @!p1 $0x3200, s12  }
0x11: {  	p2 =	sgt.s32 @!p1 s11, $0x0  }
0x12: {  	s13 =	sadd.s32 $0x10, s10;
	p2 =	por !p2, p1;
	s11 =	sand.u32 @!p1 $0x3FFFFE00, s12  }
0x13: {  	s8 =	sadd.s32 $0x1, s8;
	s11 =	simm.s32 @!p2 $0x0;
	p2 =	sgt.s32 s13, $0x270F  }
0x14: {  	s13 =	smov.u32 @p2 s2;
	p2 =	sne.s32 s8, $0x273  }
.Ltmp1:
0x15: {  	_ = 	snop;
	(pc) =	sbr.rel @!p2 .LBB1_6-.Ltmp1, $4  }
0x16: {  	s12 =	simm.s32 @!p1 $0x2  }
0x17: {  	p0 =	por !p0, !p0;
	_ =	swait.ge @!p1 [sflag:s12], s11;
	s14 =	ssub.s32 @!p1 $0x0, s11  }
0x18: {  	s11 =	smov.u32 s9;
	s9 =	smov.u32 s10;
	[sflag:s12] =	ssyncset.done @!p1 $0x0  }
0x19: {  	s10 =	smov.u32 s13;
	[sflag:s12] =	ssyncadd.s32 @!p1 s14;
	s12 =	smov.u32 s3  }
.LBB1_1:
0x1a: {  	p1 =	sgt.u32 s8, $0x270  }
0x1b: {  	s13 =	sxor.u32 @!p1 $0xFFFFFFFF, s8  }
0x1c: {  	s14 =	sshll.u32 @!p1 s10, $0xC;
	s13 =	sshll.u32 @!p1 s13, $0xE  }
0x1d: {  	s15 =	simm.s32 @!p1 $0x0;
	s14 =	sadd.s32 @!p1 s14, s5;
	s13 =	sand.u32 @!p1 $0x4000, s13  }
0x1e: {  	[tilespmem:s13], [sflag:$0x1] =	stream.linear.gather @!p1 [hbm4b:s14+s15], $0x4000, $0x38;
	[tilespmem:$0x10100] =	vst v63  }
0x1f: {  	p1 =	seq.s32 s8, $0x0  }
0x20: {  	p2 =	seq.s32 @!p1 s8, $0x272  }
0x21: {  	p1 =	por p1, p2  }
.Ltmp2:
0x22: {  	_ = 	snop;
	(pc) =	sbr.rel @p1 .LBB1_5-.Ltmp2, $1  }
0x23: {  	_ =	sdelay $0x3  }
0x24: {  	s13 =	simm.s32 $0x1  }
0x25: {  	_ =	swait.ge [sflag:s4], $0x4000;
	s13 =	simm.s32 @!p0 $0x0  }
0x26: {  	[sflag:s4] =	ssyncset.done $0x0;
	s14 =	sshll.u32 s13, $0xE  }
0x27: {  	[sflag:s4] =	ssyncadd.s32 $0xFFFFC000;
	s15 =	sor.u32 $0x40, s14  }
0x28: {  	s13 =	smul.u32 $0x10200, s13;
	v0 =	vld [tilespmem:s15+$0x30]  }
0x29: {  	v1 =	vld [tilespmem:s15+$0xFFFFFFD0]  }
0x2a: {  	s13 =	sshrl.u32 s13, $0x2;
	v5 =	vld [tilespmem:s15+$0xFFFFFFE0]  }
0x2b: {  	v6 =	vld [tilespmem:s15+$0xFFFFFFF0];
	s14 =	sor.u32 $0x8000, s13  }
0x2c: {  	s31 =	sand.u32 $0x1, s8;
	v4 =	vld [tilespmem:s15+$0x0];
	s16 =	sadd.s32 $0x0, s14  }
0x2d: {  	v3 =	vld [tilespmem:s15+$0x10];
	s13 =	smul.u32 $0x10200, s31;
	[tilespmem:s16+$0x3870 ss:$0x81] =	vst.msk $0xffff, v0  }
0x2e: {  	v2 =	vld [tilespmem:s15+$0x20];
	[tilespmem:s16+$0x810 ss:$0x81] =	vst.msk $0xffff, v1  }
0x2f: {  	s13 =	sshrl.u32 s13, $0x2;
	v0 =	vld [tilespmem:s15+$0xFFFFFFC0];
	[tilespmem:s16+$0x1020 ss:$0x81] =	vst.msk $0xffff, v5;
	s15 =	sadd.s32 $0x80, s15  }
0x30: {  	s17 =	simm.s32 $0x4;
	s18 =	simm.s32 $0x8;
	s13 =	sor.u32 $0x8000, s13;
	[tilespmem:s16+$0x1830 ss:$0x81] =	vst.msk $0xffff, v6;
	v1 =	vld [tilespmem:s15+$0x30]  }
.LBB1_3:
0x31: {  	p1 =	sne.s32 s18, $0x1FC;
	v5 =	vld [tilespmem:s15+$0xFFFFFFD0];
	[tilespmem:s16+$0x2040 ss:$0x81] =	vst.msk $0xffff, v4  }
0x32: {  	v6 =	vld [tilespmem:s15+$0xFFFFFFE0];
	[tilespmem:s16+$0x2850 ss:$0x81] =	vst.msk $0xffff, v3  }
0x33: {  	s19 =	sshra.s32 s17, $0x2;
	s17 =	smov.u32 s18;
	v7 =	vld [tilespmem:s15+$0xFFFFFFF0];
	[tilespmem:s16+$0x3060 ss:$0x81] =	vst.msk $0xffff, v2  }
.Ltmp3:
0x34: {  	v4 =	vld [tilespmem:s15+$0x0];
	[tilespmem:s16+$0x0 ss:$0x81] =	vst.msk $0xffff, v0;
	s16 =	sadd.s32 s19, s14;
	(pc) =	sbr.rel @p1 .LBB1_3-.Ltmp3, $4  }
0x35: {  	v3 =	vld [tilespmem:s15+$0x10];
	[tilespmem:s16+$0x3870 ss:$0x81] =	vst.msk $0xffff, v1  }
0x36: {  	[tilespmem:s16+$0x810 ss:$0x81] =	vst.msk $0xffff, v5;
	v2 =	vld [tilespmem:s15+$0x20]  }
0x37: {  	v0 =	vld [tilespmem:s15+$0xFFFFFFC0];
	[tilespmem:s16+$0x1020 ss:$0x81] =	vst.msk $0xffff, v6;
	s15 =	sadd.s32 $0x80, s15  }
0x38: {  	s18 =	sadd.s32 $0x4, s18;
	v1 =	vld [tilespmem:s15+$0x30];
	[tilespmem:s16+$0x1830 ss:$0x81] =	vst.msk $0xffff, v7  }
0x39: {  	s18 =	sshll.u32 s9, $0x8;
	s12 =	sshll.u32 s12, $0x3;
	s19 =	sshll.u32 s9, $0x7  }
0x3a: {  	v5 =	vld [tilespmem:s15+$0xFFFFFFD0];
	[tilespmem:s16+$0x2040 ss:$0x81] =	vst.msk $0xffff, v4;
	s17 =	sshra.s32 s17, $0x2;
	p1 =	sgt.s32 s9, $0x270F;
	s18 =	sand.u32 $0xFFFFF800, s18  }
0x3b: {  	v58 =	vld [tilespmem:s15+$0xFFFFFFE0];
	s27 =	sshra.s32 s9, $0x1F;
	[tilespmem:s16+$0x2850 ss:$0x81] =	vst.msk $0xffff, v3;
	s25 =	sand.u32 $0x300, s19;
	s12 =	sor.u32 s12, s18  }
0x3c: {  	v59 =	vld [tilespmem:s15+$0xFFFFFFF0];
	s14 =	sadd.s32 s17, s14;
	s17 =	smov.u32 s9;
	[tilespmem:s16+$0x3060 ss:$0x81] =	vst.msk $0xffff, v2;
	s12 =	sor.u32 s25, s12  }
0x3d: {  	v60 =	vld [tilespmem:s15+$0x0];
	s17 =	simm.s32 @!p1 $0x270F;
	s18 =	sand.u32 s27, s9;
	[tilespmem:s16+$0x0 ss:$0x81] =	vst.msk $0xffff, v0;
	s12 =	sshrl.u32 s12, $0x8  }
0x3e: {  	v61 =	vld [tilespmem:s15+$0x10];
	s29 =	ssub.s32 s17, s18;
	[tilespmem:s14+$0x3870 ss:$0x81] =	vst.msk $0xffff, v1;
	s26 =	smulhi.u32 $0x1A36E3, s12  }
0x3f: {  	v62 =	vld [tilespmem:s15+$0x20];
	s17 =	ssub.s32 $0x2710, s29;
	[tilespmem:s14+$0x810 ss:$0x81] =	vst.msk $0xffff, v5  }
0x40: {  	v63 =	vld [tilespmem:s15+$0xFFFFFFC0];
	[tilespmem:s14+$0x1020 ss:$0x81] =	vst.msk $0xffff, v58;
	s17 =	smul.u32 $0x3200, s17;
	s28 =	sshrl.u32 s26, $0x2  }
0x41: {  	[tilespmem:s14+$0x1830 ss:$0x81] =	vst.msk $0xffff, v59;
	s15 =	smul.u32 $0x2710, s28  }
.Ltmp4:
0x42: {  	s30 =	sshll.u32 s9, $0x4;
	s16 =	sadd.s32 $0xFFFFD8F1, s29;
	[tilespmem:s14+$0x2040 ss:$0x81] =	vst.msk $0xffff, v60;
	(pc) =	sbr.rel .LBB1_5-.Ltmp4, $4  }
0x43: {  	s31 =	sand.u32 $0x10, s30;
	[tilespmem:s14+$0x2850 ss:$0x81] =	vst.msk $0xffff, v61;
	p1 =	sgt.s32 s16, $0x0;
	s12 =	ssub.s32 s12, s15  }
0x44: {  	[tilespmem:s14+$0x3060 ss:$0x81] =	vst.msk $0xffff, v62;
	s16 =	sand.u32 $0x3FFFFE00, s17;
	s15 =	sadd.s32 s1, s31;
	s12 =	sshll.u32 s12, $0x5  }
0x45: {  	[tilespmem:s14+$0x0 ss:$0x81] =	vst.msk $0xffff, v63;
	s16 =	simm.s32 @p1 $0x0;
	s12 =	sadd.s32 s12, s15  }
0x46: {  	[hbm4b:s12+s6] =	stream.strided.scatter [tilespmem:s13], [sflag:$0x2], s16, s7, s6, $0x20;
	[tilespmem:$0x10100] =	vst v63  }
.LBB1_6:
0x47: {  	_ =	sfence.sel $0x180000  }
0x48: {  	s1 =	simm.s32 $0x1;
	[bflag:$0x0] =	sbarrier.arrive $0xFFFF  }
0x49: {  	s31 =	simm.s32 $0x2;
	[sflag:s1] =	ssyncpa.u1 $0x1  }
0x4a: {  	[sflag:s31] =	ssyncpa.u1 $0x1  }
0x4b: {  	p0 =	sne.s32 s2, $0x0;
	_ =	strace $0x9000004A  }
0x4c: {  	s0 =	sadd.s32 @!p0 $0x100000, s0;
	[bflag:$0x2] =	sbarrier.arrive $0xFFFF  }
0x4d: {  	[sflag:s0] =	ssyncadd.tile.s32 @!p0 $0x1;
	_ =	shalt  }
.Lfunc_end1:
_tile_overlayer_lowered:
.L_overlay_start_2:
0x4e: {  	(tag) =	ssettag $0x2  }
0x4f: {  	s0 =	rddreg [dreg:$0x0];
	s2 =	stileid.u32  }
0x50: {  	s1 =	rddreg [dreg:$0x1];
	p0 =	sne.s32 s2, $0x0  }
0x51: {  	s3 =	rddreg [dreg:$0x2];
	[bflag:$0x3] =	sbarrier.arrive $0xFFFF;
	s2 =	simm.s32 @!p0 $0x1C01  }
0x52: {  	[timem:s3], [sflag:s2] =	dma.local @!p0 [hbm:s0], s1  }
0x53: {  	s0 =	simm.s32 @!p0 $0x1  }
0x54: {  	_ =	swait.ge @!p0 [sflag:s0], s1  }
0x55: {  	s1 =	ssub.s32 @!p0 $0x0, s1;
	[sflag:s0] =	ssyncset.done @!p0 $0x0  }
0x56: {  	[sflag:s0] =	ssyncadd.s32 @!p0 s1  }
0x57: {  	[bflag:$0x3] =	sbarrier.arrive $0xFFFF  }
0x58: {  	_ =	shalt  }

</sc_bundles>
